<compile_context>
chip_gen: v7x
topology: tpu7x:2x2x1
jax: 0.10.2.dev20260603
libtpu: 0.0.44.dev20260713+nightly
codegen_flags: <defaults>
</compile_context>

<pallas_src>
import functools

import jax
import jax.numpy as jnp
from jax import lax
from jax.experimental import pallas as pl
from jax.experimental.pallas import tpu as pltpu
from jax.experimental.pallas import tpu_sc as plsc

_NUM_EMBED = 1024
_LATENT_DIM = 64
_BETA = 0.25
_TN = 1024


def _dist_argmin_body(z_ref, cb_ref, ids_ref, dsum_ref, cbneg2_ref, c2_ref):
    @pl.when(pl.program_id(0) == 0)
    def _prep():
        cb = cb_ref[...]
        cbneg2_ref[...] = -2.0 * cb
        c2_ref[...] = jnp.sum(cb * cb, axis=1, keepdims=True)
        dsum_ref[0] = 0.0

    z = z_ref[...]
    d = lax.dot_general(cbneg2_ref[...], z, (((1,), (1,)), ((), ())),
                        preferred_element_type=jnp.float32)
    c2 = c2_ref[...]
    rv = d[0:8, :] + c2[0:8, :]
    ri = jnp.zeros((8, _TN), jnp.float32)
    for r in range(1, _NUM_EMBED // 8):
        v = d[8 * r:8 * r + 8, :] + c2[8 * r:8 * r + 8, :]
        cm = v < rv
        rv = jnp.where(cm, v, rv)
        ri = jnp.where(cm, float(r), ri)
    srow = lax.broadcasted_iota(jnp.int32, (8, _TN), 0).astype(jnp.float32)
    code = ri * 8.0 + srow
    m1 = jnp.min(rv, axis=0, keepdims=True)
    idsf = jnp.min(jnp.where(rv == m1, code, float(_NUM_EMBED)), axis=0)
    ids_ref[...] = idsf.astype(jnp.int32)
    dsum_ref[0] += jnp.sum(m1) + jnp.sum(z * z)


def _dist_argmin(z2d, codebook):
    n = z2d.shape[0]
    return pl.pallas_call(
        _dist_argmin_body,
        grid=(n // _TN,),
        in_specs=[
            pl.BlockSpec((_TN, _LATENT_DIM), lambda i: (i, 0)),
            pl.BlockSpec((_NUM_EMBED, _LATENT_DIM), lambda i: (0, 0)),
        ],
        out_specs=[
            pl.BlockSpec((_TN,), lambda i: (i,)),
            pl.BlockSpec(memory_space=pltpu.SMEM),
        ],
        out_shape=[
            jax.ShapeDtypeStruct((n,), jnp.int32),
            jax.ShapeDtypeStruct((1,), jnp.float32),
        ],
        scratch_shapes=[
            pltpu.VMEM((_NUM_EMBED, _LATENT_DIM), jnp.float32),
            pltpu.VMEM((_NUM_EMBED, 1), jnp.float32),
        ],
    )(z2d, codebook)


_CH = 128
_NB = 4


def _sc_gather(codebook_pad, ids):
    info = plsc.get_sparse_core_info()
    nw = info.num_cores * info.num_subcores
    n = ids.shape[0]
    b_per_w = n // nw
    nch = b_per_w // _CH
    mesh = plsc.VectorSubcoreMesh(core_axis_name="c", subcore_axis_name="s")

    @functools.partial(
        pl.kernel,
        mesh=mesh,
        out_type=jax.ShapeDtypeStruct((n, 128), jnp.float32),
        scratch_types=[
            pltpu.VMEM((b_per_w,), jnp.int32),
            pltpu.VMEM((_NB, _CH, 128), jnp.float32),
            [pltpu.SemaphoreType.DMA] * _NB,
            [pltpu.SemaphoreType.DMA] * _NB,
        ],
    )
    def gather_k(table_hbm, idx_hbm, out_hbm, idx_v, bufs, gsems, wsems):
        wid = lax.axis_index("s") * info.num_cores + lax.axis_index("c")
        base = wid * b_per_w
        pltpu.sync_copy(idx_hbm.at[pl.ds(base, b_per_w)], idx_v)
        gd = [None] * _NB
        wd = [None] * _NB
        lookahead = 2

        def fire_write(k):
            bk = k % _NB
            gd[bk].wait()
            wd[bk] = pltpu.async_copy(
                bufs.at[bk], out_hbm.at[pl.ds(base + k * _CH, _CH)],
                wsems[bk])

        for j in range(nch):
            bj = j % _NB
            if wd[bj] is not None:
                wd[bj].wait()
            gd[bj] = pltpu.async_copy(
                table_hbm.at[idx_v.at[pl.ds(j * _CH, _CH)]],
                bufs.at[bj], gsems[bj])
            if j - lookahead >= 0:
                fire_write(j - lookahead)
        for k in range(nch - lookahead, nch):
            fire_write(k)
        for bk in range(_NB):
            if wd[bk] is not None:
                wd[bk].wait()

    return gather_k(codebook_pad, ids)


def kernel(z, codebook):
    z2d = z.reshape(-1, _LATENT_DIM)
    n = z2d.shape[0]
    ids, dsum = _dist_argmin(z2d, codebook)
    cb_pad = jnp.pad(codebook, ((0, 0), (0, 128 - _LATENT_DIM)))
    z_q = _sc_gather(cb_pad, ids)[:, :_LATENT_DIM].reshape(z.shape)
    loss = (1.0 + _BETA) * (dsum[0] / (n * _LATENT_DIM))
    return (z, z_q, ids, loss)

# --- scband reference (transcript-rebuilt; emitter-appended) ---
"""Pipeline reference for scband-quantization-31275951850089 (READ-ONLY COPY).

The authoritative reference and input builder live on the scoring server;
editing this copy changes nothing except your own understanding.
"""

import jax, jax.numpy as jnp
import numpy as np

NUM_EMBED = 1024
LATENT_DIM = 64
BETA = 0.25

def setup_inputs(seed: int = 0) -> dict:
    key = jax.random.key(seed)
    k1, k2 = jax.random.split(key)
    z = jax.random.normal(k1, (32768, 1, LATENT_DIM), dtype=jnp.float32)
    codebook = jax.random.normal(k2, (NUM_EMBED, LATENT_DIM), dtype=jnp.float32)
    return {"z": z, "codebook": codebook}

def find_closest_tensor(z_f, codebook):
    # squared L2 distance: ||z||^2 + ||c||^2 - 2 z.c
    d = (jnp.sum(z_f ** 2, axis=1, keepdims=True)
         + jnp.sum(codebook ** 2, axis=1)[None, :]
         - 2.0 * jnp.matmul(z_f, codebook.T))
    return jnp.argmin(d, axis=1)

def reference(z, codebook):
    # hard_quantize path of Quantization.forward
    z_shape = z.shape
    z_f = z.reshape(-1, LATENT_DIM)
    min_embed_ids = find_closest_tensor(z_f, codebook)
    encodings = jax.nn.one_hot(min_embed_ids, NUM_EMBED, dtype=z.dtype)
    z_q = jnp.matmul(encodings, codebook).reshape(z_shape)
    # straight-through estimator
    z_q = z + jax.lax.stop_gradient(z_q - z)
    # partial_loss (calculate_loss=True): note second term detaches codebook path via STE'd z_q
    codebook_loss = (jnp.mean((jax.lax.stop_gradient(z_q) - z) ** 2)
                     + jnp.mean((z_q - jax.lax.stop_gradient(z)) ** 2) * BETA)
    # torch forward returns (z, z_q); ret dict carries min_embed_ids and codebook_loss
    return (z, z_q, min_embed_ids, codebook_loss)

if __name__ == "__main__":
    import jax
    _d = setup_inputs()
    print(jax.jit(kernel)(*tuple(_d.values())))

</pallas_src>

<mosaic_0001>
#map = affine_map<(d0, d1) -> (0, 0)>
#map1 = affine_map<(d0, d1) -> (0)>
module attributes {stable_mosaic.version = 14 : i64} {
  func.func @gather_k(%arg0: i32, %arg1: i32, %arg2: memref<1024x128xf32, #tpu.memory_space<hbm>>, %arg3: memref<32768xi32, #tpu.memory_space<hbm>>, %arg4: memref<32768x128xf32, #tpu.memory_space<hbm>>, %arg5: memref<1024xi32, #tpu.memory_space<vmem>>, %arg6: memref<4x128x128xf32, #tpu.memory_space<vmem>>, %arg7: memref<!tpu.dma_semaphore, #tpu.memory_space<semaphore_mem>>, %arg8: memref<!tpu.dma_semaphore, #tpu.memory_space<semaphore_mem>>, %arg9: memref<!tpu.dma_semaphore, #tpu.memory_space<semaphore_mem>>, %arg10: memref<!tpu.dma_semaphore, #tpu.memory_space<semaphore_mem>>, %arg11: memref<!tpu.dma_semaphore, #tpu.memory_space<semaphore_mem>>, %arg12: memref<!tpu.dma_semaphore, #tpu.memory_space<semaphore_mem>>, %arg13: memref<!tpu.dma_semaphore, #tpu.memory_space<semaphore_mem>>, %arg14: memref<!tpu.dma_semaphore, #tpu.memory_space<semaphore_mem>>) attributes {dimension_semantics = [#tpu.dimension_semantics<core_parallel>, #tpu.dimension_semantics<subcore_parallel>], iteration_bounds = array<i64: 2, 16>, scalar_prefetch = 0 : i64, scratch_operands = 10 : i64, tpu.core_type = #tpu.core_type<sc_vector_subcore>, window_params = [{transform_indices = #map}, {transform_indices = #map1}, {transform_indices = #map}]} {
    %mul3A = arith.constant 2 : i32
    %mul3A_0 = arith.muli %arg1, %mul3A : i32
    %add3A = arith.addi %mul3A_0, %arg0 : i32
    %mul3A_1 = arith.constant 1024 : i32
    %mul3A_2 = arith.muli %add3A, %mul3A_1 : i32
    "tpu.region"() ({
      %run_scoped3A = tpu.sem_alloc : memref<!tpu.dma_semaphore, #tpu.memory_space<semaphore_mem>>
      %dma_start3A_385 = tpu.memref_slice %arg3[%mul3A_2] : memref<32768xi32, #tpu.memory_space<hbm>> -> memref<1024xi32, #tpu.memory_space<hbm>>
      %dma_start3A_386 = tpu.memref_slice %arg3[%mul3A_2] : memref<32768xi32, #tpu.memory_space<hbm>> -> memref<1024xi32, #tpu.memory_space<hbm>>
      tpu.enqueue_dma source(%dma_start3A_386 : memref<1024xi32, #tpu.memory_space<hbm>>) target(%arg5 : memref<1024xi32, #tpu.memory_space<vmem>>) target_semaphore(%run_scoped3A : memref<!tpu.dma_semaphore, #tpu.memory_space<semaphore_mem>>)
      %dma_wait3A_387 = tpu.memref_slice %arg3[%mul3A_2] : memref<32768xi32, #tpu.memory_space<hbm>> -> memref<1024xi32, #tpu.memory_space<hbm>>
      %dma_wait3A_388 = tpu.memref_slice %arg3[%mul3A_2] : memref<32768xi32, #tpu.memory_space<hbm>> -> memref<1024xi32, #tpu.memory_space<hbm>>
      tpu.wait_dma2 semaphore(%run_scoped3A : memref<!tpu.dma_semaphore, #tpu.memory_space<semaphore_mem>>) src(%dma_wait3A_388 : memref<1024xi32, #tpu.memory_space<hbm>>) dst(%arg5 : memref<1024xi32, #tpu.memory_space<vmem>>)
      tpu.yield
    }) : () -> ()
    %dma_start3A = arith.constant 0 : i32
    %dma_start3A_3 = arith.constant 0 : i32
    %dma_start3A_4 = arith.constant 0 : i32
    %dma_start3A_5 = tpu.memref_slice %arg6[%dma_start3A, %dma_start3A_3, %dma_start3A_4] : memref<4x128x128xf32, #tpu.memory_space<vmem>> -> memref<1x128x128xf32, #tpu.memory_space<vmem>>
    %dma_start3A_6 = tpu.memref_squeeze %dma_start3A_5 : memref<1x128x128xf32, #tpu.memory_space<vmem>> -> memref<128x128xf32, #tpu.memory_space<vmem>>
    %dma_start3A_7 = arith.constant 0 : i32
    %dma_start3A_8 = tpu.memref_slice %arg5[%dma_start3A_7] : memref<1024xi32, #tpu.memory_space<vmem>> -> memref<128xi32, #tpu.memory_space<vmem>>
    %dma_start3A_9 = arith.constant 0 : i32
    %dma_start3A_10 = arith.constant 0 : i32
    %dma_start3A_11 = tpu.memref_slice %arg2[%dma_start3A_9, %dma_start3A_10] : memref<1024x128xf32, #tpu.memory_space<hbm>> -> memref<1024x128xf32, #tpu.memory_space<hbm>>
    tpu.enqueue_indirect_dma source(%dma_start3A_11 : memref<1024x128xf32, #tpu.memory_space<hbm>>) target(%dma_start3A_6 : memref<128x128xf32, #tpu.memory_space<vmem>>) offsets(%dma_start3A_8 : memref<128xi32, #tpu.memory_space<vmem>>) semaphore(%arg7 : memref<!tpu.dma_semaphore, #tpu.memory_space<semaphore_mem>>)
    %dma_start3A_12 = arith.constant 1 : i32
    %dma_start3A_13 = arith.constant 0 : i32
    %dma_start3A_14 = arith.constant 0 : i32
    %dma_start3A_15 = tpu.memref_slice %arg6[%dma_start3A_12, %dma_start3A_13, %dma_start3A_14] : memref<4x128x128xf32, #tpu.memory_space<vmem>> -> memref<1x128x128xf32, #tpu.memory_space<vmem>>
    %dma_start3A_16 = tpu.memref_squeeze %dma_start3A_15 : memref<1x128x128xf32, #tpu.memory_space<vmem>> -> memref<128x128xf32, #tpu.memory_space<vmem>>
    %dma_start3A_17 = arith.constant 128 : i32
    %dma_start3A_18 = tpu.memref_slice %arg5[%dma_start3A_17] : memref<1024xi32, #tpu.memory_space<vmem>> -> memref<128xi32, #tpu.memory_space<vmem>>
    %dma_start3A_19 = arith.constant 0 : i32
    %dma_start3A_20 = arith.constant 0 : i32
    %dma_start3A_21 = tpu.memref_slice %arg2[%dma_start3A_19, %dma_start3A_20] : memref<1024x128xf32, #tpu.memory_space<hbm>> -> memref<1024x128xf32, #tpu.memory_space<hbm>>
    tpu.enqueue_indirect_dma source(%dma_start3A_21 : memref<1024x128xf32, #tpu.memory_space<hbm>>) target(%dma_start3A_16 : memref<128x128xf32, #tpu.memory_space<vmem>>) offsets(%dma_start3A_18 : memref<128xi32, #tpu.memory_space<vmem>>) semaphore(%arg8 : memref<!tpu.dma_semaphore, #tpu.memory_space<semaphore_mem>>)
    %dma_start3A_22 = arith.constant 2 : i32
    %dma_start3A_23 = arith.constant 0 : i32
    %dma_start3A_24 = arith.constant 0 : i32
    %dma_start3A_25 = tpu.memref_slice %arg6[%dma_start3A_22, %dma_start3A_23, %dma_start3A_24] : memref<4x128x128xf32, #tpu.memory_space<vmem>> -> memref<1x128x128xf32, #tpu.memory_space<vmem>>
    %dma_start3A_26 = tpu.memref_squeeze %dma_start3A_25 : memref<1x128x128xf32, #tpu.memory_space<vmem>> -> memref<128x128xf32, #tpu.memory_space<vmem>>
    %dma_start3A_27 = arith.constant 256 : i32
    %dma_start3A_28 = tpu.memref_slice %arg5[%dma_start3A_27] : memref<1024xi32, #tpu.memory_space<vmem>> -> memref<128xi32, #tpu.memory_space<vmem>>
    %dma_start3A_29 = arith.constant 0 : i32
    %dma_start3A_30 = arith.constant 0 : i32
    %dma_start3A_31 = tpu.memref_slice %arg2[%dma_start3A_29, %dma_start3A_30] : memref<1024x128xf32, #tpu.memory_space<hbm>> -> memref<1024x128xf32, #tpu.memory_space<hbm>>
    tpu.enqueue_indirect_dma source(%dma_start3A_31 : memref<1024x128xf32, #tpu.memory_space<hbm>>) target(%dma_start3A_26 : memref<128x128xf32, #tpu.memory_space<vmem>>) offsets(%dma_start3A_28 : memref<128xi32, #tpu.memory_space<vmem>>) semaphore(%arg9 : memref<!tpu.dma_semaphore, #tpu.memory_space<semaphore_mem>>)
    %dma_wait3A = arith.constant 0 : i32
    %dma_wait3A_32 = arith.constant 0 : i32
    %dma_wait3A_33 = arith.constant 0 : i32
    %dma_wait3A_34 = tpu.memref_slice %arg6[%dma_wait3A, %dma_wait3A_32, %dma_wait3A_33] : memref<4x128x128xf32, #tpu.memory_space<vmem>> -> memref<1x128x128xf32, #tpu.memory_space<vmem>>
    %dma_wait3A_35 = tpu.memref_squeeze %dma_wait3A_34 : memref<1x128x128xf32, #tpu.memory_space<vmem>> -> memref<128x128xf32, #tpu.memory_space<vmem>>
    %dma_wait3A_36 = arith.constant 0 : i32
    %dma_wait3A_37 = tpu.memref_slice %arg5[%dma_wait3A_36] : memref<1024xi32, #tpu.memory_space<vmem>> -> memref<128xi32, #tpu.memory_space<vmem>>
    %dma_wait3A_38 = arith.constant 0 : i32
    %dma_wait3A_39 = arith.constant 0 : i32
    %dma_wait3A_40 = tpu.memref_slice %arg2[%dma_wait3A_38, %dma_wait3A_39] : memref<1024x128xf32, #tpu.memory_space<hbm>> -> memref<1024x128xf32, #tpu.memory_space<hbm>>
    tpu.wait_indirect_dma semaphore(%arg7 : memref<!tpu.dma_semaphore, #tpu.memory_space<semaphore_mem>>) src(%dma_wait3A_40 : memref<1024x128xf32, #tpu.memory_space<hbm>>) dst(%dma_wait3A_35 : memref<128x128xf32, #tpu.memory_space<vmem>>)
    %add3A_41 = arith.constant 0 : i32
    %add3A_42 = arith.addi %mul3A_2, %add3A_41 : i32
    %dma_start3A_43 = arith.constant 0 : i32
    %dma_start3A_44 = arith.constant 0 : i32
    %dma_start3A_45 = arith.constant 0 : i32
    %dma_start3A_46 = tpu.memref_slice %arg6[%dma_start3A_43, %dma_start3A_44, %dma_start3A_45] : memref<4x128x128xf32, #tpu.memory_space<vmem>> -> memref<1x128x128xf32, #tpu.memory_space<vmem>>
    %dma_start3A_47 = tpu.memref_squeeze %dma_start3A_46 : memref<1x128x128xf32, #tpu.memory_space<vmem>> -> memref<128x128xf32, #tpu.memory_space<vmem>>
    %dma_start3A_48 = arith.constant 0 : i32
    %dma_start3A_49 = tpu.memref_slice %arg4[%add3A_42, %dma_start3A_48] : memref<32768x128xf32, #tpu.memory_space<hbm>> -> memref<128x128xf32, #tpu.memory_space<hbm>>
    %dma_start3A_50 = arith.constant 0 : i32
    %dma_start3A_51 = tpu.memref_slice %arg4[%add3A_42, %dma_start3A_50] : memref<32768x128xf32, #tpu.memory_space<hbm>> -> memref<128x128xf32, #tpu.memory_space<hbm>>
    %dma_start3A_52 = arith.constant 0 : i32
    %dma_start3A_53 = arith.constant 0 : i32
    %dma_start3A_54 = tpu.memref_slice %arg6[%dma_start3A_43, %dma_start3A_52, %dma_start3A_53] : memref<4x128x128xf32, #tpu.memory_space<vmem>> -> memref<1x128x128xf32, #tpu.memory_space<vmem>>
    %dma_start3A_55 = tpu.memref_squeeze %dma_start3A_54 : memref<1x128x128xf32, #tpu.memory_space<vmem>> -> memref<128x128xf32, #tpu.memory_space<vmem>>
    tpu.enqueue_dma source(%dma_start3A_55 : memref<128x128xf32, #tpu.memory_space<vmem>>) target(%dma_start3A_51 : memref<128x128xf32, #tpu.memory_space<hbm>>) target_semaphore(%arg11 : memref<!tpu.dma_semaphore, #tpu.memory_space<semaphore_mem>>)
    %dma_start3A_56 = arith.constant 3 : i32
    %dma_start3A_57 = arith.constant 0 : i32
    %dma_start3A_58 = arith.constant 0 : i32
    %dma_start3A_59 = tpu.memref_slice %arg6[%dma_start3A_56, %dma_start3A_57, %dma_start3A_58] : memref<4x128x128xf32, #tpu.memory_space<vmem>> -> memref<1x128x128xf32, #tpu.memory_space<vmem>>
    %dma_start3A_60 = tpu.memref_squeeze %dma_start3A_59 : memref<1x128x128xf32, #tpu.memory_space<vmem>> -> memref<128x128xf32, #tpu.memory_space<vmem>>
    %dma_start3A_61 = arith.constant 384 : i32
    %dma_start3A_62 = tpu.memref_slice %arg5[%dma_start3A_61] : memref<1024xi32, #tpu.memory_space<vmem>> -> memref<128xi32, #tpu.memory_space<vmem>>
    %dma_start3A_63 = arith.constant 0 : i32
    %dma_start3A_64 = arith.constant 0 : i32
    %dma_start3A_65 = tpu.memref_slice %arg2[%dma_start3A_63, %dma_start3A_64] : memref<1024x128xf32, #tpu.memory_space<hbm>> -> memref<1024x128xf32, #tpu.memory_space<hbm>>
    tpu.enqueue_indirect_dma source(%dma_start3A_65 : memref<1024x128xf32, #tpu.memory_space<hbm>>) target(%dma_start3A_60 : memref<128x128xf32, #tpu.memory_space<vmem>>) offsets(%dma_start3A_62 : memref<128xi32, #tpu.memory_space<vmem>>) semaphore(%arg10 : memref<!tpu.dma_semaphore, #tpu.memory_space<semaphore_mem>>)
    %dma_wait3A_66 = arith.constant 1 : i32
    %dma_wait3A_67 = arith.constant 0 : i32
    %dma_wait3A_68 = arith.constant 0 : i32
    %dma_wait3A_69 = tpu.memref_slice %arg6[%dma_wait3A_66, %dma_wait3A_67, %dma_wait3A_68] : memref<4x128x128xf32, #tpu.memory_space<vmem>> -> memref<1x128x128xf32, #tpu.memory_space<vmem>>
    %dma_wait3A_70 = tpu.memref_squeeze %dma_wait3A_69 : memref<1x128x128xf32, #tpu.memory_space<vmem>> -> memref<128x128xf32, #tpu.memory_space<vmem>>
    %dma_wait3A_71 = arith.constant 128 : i32
    %dma_wait3A_72 = tpu.memref_slice %arg5[%dma_wait3A_71] : memref<1024xi32, #tpu.memory_space<vmem>> -> memref<128xi32, #tpu.memory_space<vmem>>
    %dma_wait3A_73 = arith.constant 0 : i32
    %dma_wait3A_74 = arith.constant 0 : i32
    %dma_wait3A_75 = tpu.memref_slice %arg2[%dma_wait3A_73, %dma_wait3A_74] : memref<1024x128xf32, #tpu.memory_space<hbm>> -> memref<1024x128xf32, #tpu.memory_space<hbm>>
    tpu.wait_indirect_dma semaphore(%arg8 : memref<!tpu.dma_semaphore, #tpu.memory_space<semaphore_mem>>) src(%dma_wait3A_75 : memref<1024x128xf32, #tpu.memory_space<hbm>>) dst(%dma_wait3A_70 : memref<128x128xf32, #tpu.memory_space<vmem>>)
    %add3A_76 = arith.constant 128 : i32
    %add3A_77 = arith.addi %mul3A_2, %add3A_76 : i32
    %dma_start3A_78 = arith.constant 1 : i32
    %dma_start3A_79 = arith.constant 0 : i32
    %dma_start3A_80 = arith.constant 0 : i32
    %dma_start3A_81 = tpu.memref_slice %arg6[%dma_start3A_78, %dma_start3A_79, %dma_start3A_80] : memref<4x128x128xf32, #tpu.memory_space<vmem>> -> memref<1x128x128xf32, #tpu.memory_space<vmem>>
    %dma_start3A_82 = tpu.memref_squeeze %dma_start3A_81 : memref<1x128x128xf32, #tpu.memory_space<vmem>> -> memref<128x128xf32, #tpu.memory_space<vmem>>
    %dma_start3A_83 = arith.constant 0 : i32
    %dma_start3A_84 = tpu.memref_slice %arg4[%add3A_77, %dma_start3A_83] : memref<32768x128xf32, #tpu.memory_space<hbm>> -> memref<128x128xf32, #tpu.memory_space<hbm>>
    %dma_start3A_85 = arith.constant 0 : i32
    %dma_start3A_86 = tpu.memref_slice %arg4[%add3A_77, %dma_start3A_85] : memref<32768x128xf32, #tpu.memory_space<hbm>> -> memref<128x128xf32, #tpu.memory_space<hbm>>
    %dma_start3A_87 = arith.constant 0 : i32
    %dma_start3A_88 = arith.constant 0 : i32
    %dma_start3A_89 = tpu.memref_slice %arg6[%dma_start3A_78, %dma_start3A_87, %dma_start3A_88] : memref<4x128x128xf32, #tpu.memory_space<vmem>> -> memref<1x128x128xf32, #tpu.memory_space<vmem>>
    %dma_start3A_90 = tpu.memref_squeeze %dma_start3A_89 : memref<1x128x128xf32, #tpu.memory_space<vmem>> -> memref<128x128xf32, #tpu.memory_space<vmem>>
    tpu.enqueue_dma source(%dma_start3A_90 : memref<128x128xf32, #tpu.memory_space<vmem>>) target(%dma_start3A_86 : memref<128x128xf32, #tpu.memory_space<hbm>>) target_semaphore(%arg12 : memref<!tpu.dma_semaphore, #tpu.memory_space<semaphore_mem>>)
    %dma_wait3A_91 = arith.constant 0 : i32
    %dma_wait3A_92 = arith.constant 0 : i32
    %dma_wait3A_93 = arith.constant 0 : i32
    %dma_wait3A_94 = tpu.memref_slice %arg6[%dma_wait3A_91, %dma_wait3A_92, %dma_wait3A_93] : memref<4x128x128xf32, #tpu.memory_space<vmem>> -> memref<1x128x128xf32, #tpu.memory_space<vmem>>
    %dma_wait3A_95 = tpu.memref_squeeze %dma_wait3A_94 : memref<1x128x128xf32, #tpu.memory_space<vmem>> -> memref<128x128xf32, #tpu.memory_space<vmem>>
    %dma_wait3A_96 = arith.constant 0 : i32
    %dma_wait3A_97 = tpu.memref_slice %arg4[%add3A_42, %dma_wait3A_96] : memref<32768x128xf32, #tpu.memory_space<hbm>> -> memref<128x128xf32, #tpu.memory_space<hbm>>
    %dma_wait3A_98 = arith.constant 0 : i32
    %dma_wait3A_99 = tpu.memref_slice %arg4[%add3A_42, %dma_wait3A_98] : memref<32768x128xf32, #tpu.memory_space<hbm>> -> memref<128x128xf32, #tpu.memory_space<hbm>>
    %dma_wait3A_100 = arith.constant 0 : i32
    %dma_wait3A_101 = arith.constant 0 : i32
    %dma_wait3A_102 = tpu.memref_slice %arg6[%dma_wait3A_91, %dma_wait3A_100, %dma_wait3A_101] : memref<4x128x128xf32, #tpu.memory_space<vmem>> -> memref<1x128x128xf32, #tpu.memory_space<vmem>>
    %dma_wait3A_103 = tpu.memref_squeeze %dma_wait3A_102 : memref<1x128x128xf32, #tpu.memory_space<vmem>> -> memref<128x128xf32, #tpu.memory_space<vmem>>
    tpu.wait_dma2 semaphore(%arg11 : memref<!tpu.dma_semaphore, #tpu.memory_space<semaphore_mem>>) src(%dma_wait3A_103 : memref<128x128xf32, #tpu.memory_space<vmem>>) dst(%dma_wait3A_99 : memref<128x128xf32, #tpu.memory_space<hbm>>)
    %dma_start3A_104 = arith.constant 0 : i32
    %dma_start3A_105 = arith.constant 0 : i32
    %dma_start3A_106 = arith.constant 0 : i32
    %dma_start3A_107 = tpu.memref_slice %arg6[%dma_start3A_104, %dma_start3A_105, %dma_start3A_106] : memref<4x128x128xf32, #tpu.memory_space<vmem>> -> memref<1x128x128xf32, #tpu.memory_space<vmem>>
    %dma_start3A_108 = tpu.memref_squeeze %dma_start3A_107 : memref<1x128x128xf32, #tpu.memory_space<vmem>> -> memref<128x128xf32, #tpu.memory_space<vmem>>
    %dma_start3A_109 = arith.constant 512 : i32
    %dma_start3A_110 = tpu.memref_slice %arg5[%dma_start3A_109] : memref<1024xi32, #tpu.memory_space<vmem>> -> memref<128xi32, #tpu.memory_space<vmem>>
    %dma_start3A_111 = arith.constant 0 : i32
    %dma_start3A_112 = arith.constant 0 : i32
    %dma_start3A_113 = tpu.memref_slice %arg2[%dma_start3A_111, %dma_start3A_112] : memref<1024x128xf32, #tpu.memory_space<hbm>> -> memref<1024x128xf32, #tpu.memory_space<hbm>>
    tpu.enqueue_indirect_dma source(%dma_start3A_113 : memref<1024x128xf32, #tpu.memory_space<hbm>>) target(%dma_start3A_108 : memref<128x128xf32, #tpu.memory_space<vmem>>) offsets(%dma_start3A_110 : memref<128xi32, #tpu.memory_space<vmem>>) semaphore(%arg7 : memref<!tpu.dma_semaphore, #tpu.memory_space<semaphore_mem>>)
    %dma_wait3A_114 = arith.constant 2 : i32
    %dma_wait3A_115 = arith.constant 0 : i32
    %dma_wait3A_116 = arith.constant 0 : i32
    %dma_wait3A_117 = tpu.memref_slice %arg6[%dma_wait3A_114, %dma_wait3A_115, %dma_wait3A_116] : memref<4x128x128xf32, #tpu.memory_space<vmem>> -> memref<1x128x128xf32, #tpu.memory_space<vmem>>
    %dma_wait3A_118 = tpu.memref_squeeze %dma_wait3A_117 : memref<1x128x128xf32, #tpu.memory_space<vmem>> -> memref<128x128xf32, #tpu.memory_space<vmem>>
    %dma_wait3A_119 = arith.constant 256 : i32
    %dma_wait3A_120 = tpu.memref_slice %arg5[%dma_wait3A_119] : memref<1024xi32, #tpu.memory_space<vmem>> -> memref<128xi32, #tpu.memory_space<vmem>>
    %dma_wait3A_121 = arith.constant 0 : i32
    %dma_wait3A_122 = arith.constant 0 : i32
    %dma_wait3A_123 = tpu.memref_slice %arg2[%dma_wait3A_121, %dma_wait3A_122] : memref<1024x128xf32, #tpu.memory_space<hbm>> -> memref<1024x128xf32, #tpu.memory_space<hbm>>
    tpu.wait_indirect_dma semaphore(%arg9 : memref<!tpu.dma_semaphore, #tpu.memory_space<semaphore_mem>>) src(%dma_wait3A_123 : memref<1024x128xf32, #tpu.memory_space<hbm>>) dst(%dma_wait3A_118 : memref<128x128xf32, #tpu.memory_space<vmem>>)
    %add3A_124 = arith.constant 256 : i32
    %add3A_125 = arith.addi %mul3A_2, %add3A_124 : i32
    %dma_start3A_126 = arith.constant 2 : i32
    %dma_start3A_127 = arith.constant 0 : i32
    %dma_start3A_128 = arith.constant 0 : i32
    %dma_start3A_129 = tpu.memref_slice %arg6[%dma_start3A_126, %dma_start3A_127, %dma_start3A_128] : memref<4x128x128xf32, #tpu.memory_space<vmem>> -> memref<1x128x128xf32, #tpu.memory_space<vmem>>
    %dma_start3A_130 = tpu.memref_squeeze %dma_start3A_129 : memref<1x128x128xf32, #tpu.memory_space<vmem>> -> memref<128x128xf32, #tpu.memory_space<vmem>>
    %dma_start3A_131 = arith.constant 0 : i32
    %dma_start3A_132 = tpu.memref_slice %arg4[%add3A_125, %dma_start3A_131] : memref<32768x128xf32, #tpu.memory_space<hbm>> -> memref<128x128xf32, #tpu.memory_space<hbm>>
    %dma_start3A_133 = arith.constant 0 : i32
    %dma_start3A_134 = tpu.memref_slice %arg4[%add3A_125, %dma_start3A_133] : memref<32768x128xf32, #tpu.memory_space<hbm>> -> memref<128x128xf32, #tpu.memory_space<hbm>>
    %dma_start3A_135 = arith.constant 0 : i32
    %dma_start3A_136 = arith.constant 0 : i32
    %dma_start3A_137 = tpu.memref_slice %arg6[%dma_start3A_126, %dma_start3A_135, %dma_start3A_136] : memref<4x128x128xf32, #tpu.memory_space<vmem>> -> memref<1x128x128xf32, #tpu.memory_space<vmem>>
    %dma_start3A_138 = tpu.memref_squeeze %dma_start3A_137 : memref<1x128x128xf32, #tpu.memory_space<vmem>> -> memref<128x128xf32, #tpu.memory_space<vmem>>
    tpu.enqueue_dma source(%dma_start3A_138 : memref<128x128xf32, #tpu.memory_space<vmem>>) target(%dma_start3A_134 : memref<128x128xf32, #tpu.memory_space<hbm>>) target_semaphore(%arg13 : memref<!tpu.dma_semaphore, #tpu.memory_space<semaphore_mem>>)
    %dma_wait3A_139 = arith.constant 1 : i32
    %dma_wait3A_140 = arith.constant 0 : i32
    %dma_wait3A_141 = arith.constant 0 : i32
    %dma_wait3A_142 = tpu.memref_slice %arg6[%dma_wait3A_139, %dma_wait3A_140, %dma_wait3A_141] : memref<4x128x128xf32, #tpu.memory_space<vmem>> -> memref<1x128x128xf32, #tpu.memory_space<vmem>>
    %dma_wait3A_143 = tpu.memref_squeeze %dma_wait3A_142 : memref<1x128x128xf32, #tpu.memory_space<vmem>> -> memref<128x128xf32, #tpu.memory_space<vmem>>
    %dma_wait3A_144 = arith.constant 0 : i32
    %dma_wait3A_145 = tpu.memref_slice %arg4[%add3A_77, %dma_wait3A_144] : memref<32768x128xf32, #tpu.memory_space<hbm>> -> memref<128x128xf32, #tpu.memory_space<hbm>>
    %dma_wait3A_146 = arith.constant 0 : i32
    %dma_wait3A_147 = tpu.memref_slice %arg4[%add3A_77, %dma_wait3A_146] : memref<32768x128xf32, #tpu.memory_space<hbm>> -> memref<128x128xf32, #tpu.memory_space<hbm>>
    %dma_wait3A_148 = arith.constant 0 : i32
    %dma_wait3A_149 = arith.constant 0 : i32
    %dma_wait3A_150 = tpu.memref_slice %arg6[%dma_wait3A_139, %dma_wait3A_148, %dma_wait3A_149] : memref<4x128x128xf32, #tpu.memory_space<vmem>> -> memref<1x128x128xf32, #tpu.memory_space<vmem>>
    %dma_wait3A_151 = tpu.memref_squeeze %dma_wait3A_150 : memref<1x128x128xf32, #tpu.memory_space<vmem>> -> memref<128x128xf32, #tpu.memory_space<vmem>>
    tpu.wait_dma2 semaphore(%arg12 : memref<!tpu.dma_semaphore, #tpu.memory_space<semaphore_mem>>) src(%dma_wait3A_151 : memref<128x128xf32, #tpu.memory_space<vmem>>) dst(%dma_wait3A_147 : memref<128x128xf32, #tpu.memory_space<hbm>>)
    %dma_start3A_152 = arith.constant 1 : i32
    %dma_start3A_153 = arith.constant 0 : i32
    %dma_start3A_154 = arith.constant 0 : i32
    %dma_start3A_155 = tpu.memref_slice %arg6[%dma_start3A_152, %dma_start3A_153, %dma_start3A_154] : memref<4x128x128xf32, #tpu.memory_space<vmem>> -> memref<1x128x128xf32, #tpu.memory_space<vmem>>
    %dma_start3A_156 = tpu.memref_squeeze %dma_start3A_155 : memref<1x128x128xf32, #tpu.memory_space<vmem>> -> memref<128x128xf32, #tpu.memory_space<vmem>>
    %dma_start3A_157 = arith.constant 640 : i32
    %dma_start3A_158 = tpu.memref_slice %arg5[%dma_start3A_157] : memref<1024xi32, #tpu.memory_space<vmem>> -> memref<128xi32, #tpu.memory_space<vmem>>
    %dma_start3A_159 = arith.constant 0 : i32
    %dma_start3A_160 = arith.constant 0 : i32
    %dma_start3A_161 = tpu.memref_slice %arg2[%dma_start3A_159, %dma_start3A_160] : memref<1024x128xf32, #tpu.memory_space<hbm>> -> memref<1024x128xf32, #tpu.memory_space<hbm>>
    tpu.enqueue_indirect_dma source(%dma_start3A_161 : memref<1024x128xf32, #tpu.memory_space<hbm>>) target(%dma_start3A_156 : memref<128x128xf32, #tpu.memory_space<vmem>>) offsets(%dma_start3A_158 : memref<128xi32, #tpu.memory_space<vmem>>) semaphore(%arg8 : memref<!tpu.dma_semaphore, #tpu.memory_space<semaphore_mem>>)
    %dma_wait3A_162 = arith.constant 3 : i32
    %dma_wait3A_163 = arith.constant 0 : i32
    %dma_wait3A_164 = arith.constant 0 : i32
    %dma_wait3A_165 = tpu.memref_slice %arg6[%dma_wait3A_162, %dma_wait3A_163, %dma_wait3A_164] : memref<4x128x128xf32, #tpu.memory_space<vmem>> -> memref<1x128x128xf32, #tpu.memory_space<vmem>>
    %dma_wait3A_166 = tpu.memref_squeeze %dma_wait3A_165 : memref<1x128x128xf32, #tpu.memory_space<vmem>> -> memref<128x128xf32, #tpu.memory_space<vmem>>
    %dma_wait3A_167 = arith.constant 384 : i32
    %dma_wait3A_168 = tpu.memref_slice %arg5[%dma_wait3A_167] : memref<1024xi32, #tpu.memory_space<vmem>> -> memref<128xi32, #tpu.memory_space<vmem>>
    %dma_wait3A_169 = arith.constant 0 : i32
    %dma_wait3A_170 = arith.constant 0 : i32
    %dma_wait3A_171 = tpu.memref_slice %arg2[%dma_wait3A_169, %dma_wait3A_170] : memref<1024x128xf32, #tpu.memory_space<hbm>> -> memref<1024x128xf32, #tpu.memory_space<hbm>>
    tpu.wait_indirect_dma semaphore(%arg10 : memref<!tpu.dma_semaphore, #tpu.memory_space<semaphore_mem>>) src(%dma_wait3A_171 : memref<1024x128xf32, #tpu.memory_space<hbm>>) dst(%dma_wait3A_166 : memref<128x128xf32, #tpu.memory_space<vmem>>)
    %add3A_172 = arith.constant 384 : i32
    %add3A_173 = arith.addi %mul3A_2, %add3A_172 : i32
    %dma_start3A_174 = arith.constant 3 : i32
    %dma_start3A_175 = arith.constant 0 : i32
    %dma_start3A_176 = arith.constant 0 : i32
    %dma_start3A_177 = tpu.memref_slice %arg6[%dma_start3A_174, %dma_start3A_175, %dma_start3A_176] : memref<4x128x128xf32, #tpu.memory_space<vmem>> -> memref<1x128x128xf32, #tpu.memory_space<vmem>>
    %dma_start3A_178 = tpu.memref_squeeze %dma_start3A_177 : memref<1x128x128xf32, #tpu.memory_space<vmem>> -> memref<128x128xf32, #tpu.memory_space<vmem>>
    %dma_start3A_179 = arith.constant 0 : i32
    %dma_start3A_180 = tpu.memref_slice %arg4[%add3A_173, %dma_start3A_179] : memref<32768x128xf32, #tpu.memory_space<hbm>> -> memref<128x128xf32, #tpu.memory_space<hbm>>
    %dma_start3A_181 = arith.constant 0 : i32
    %dma_start3A_182 = tpu.memref_slice %arg4[%add3A_173, %dma_start3A_181] : memref<32768x128xf32, #tpu.memory_space<hbm>> -> memref<128x128xf32, #tpu.memory_space<hbm>>
    %dma_start3A_183 = arith.constant 0 : i32
    %dma_start3A_184 = arith.constant 0 : i32
    %dma_start3A_185 = tpu.memref_slice %arg6[%dma_start3A_174, %dma_start3A_183, %dma_start3A_184] : memref<4x128x128xf32, #tpu.memory_space<vmem>> -> memref<1x128x128xf32, #tpu.memory_space<vmem>>
    %dma_start3A_186 = tpu.memref_squeeze %dma_start3A_185 : memref<1x128x128xf32, #tpu.memory_space<vmem>> -> memref<128x128xf32, #tpu.memory_space<vmem>>
    tpu.enqueue_dma source(%dma_start3A_186 : memref<128x128xf32, #tpu.memory_space<vmem>>) target(%dma_start3A_182 : memref<128x128xf32, #tpu.memory_space<hbm>>) target_semaphore(%arg14 : memref<!tpu.dma_semaphore, #tpu.memory_space<semaphore_mem>>)
    %dma_wait3A_187 = arith.constant 2 : i32
    %dma_wait3A_188 = arith.constant 0 : i32
    %dma_wait3A_189 = arith.constant 0 : i32
    %dma_wait3A_190 = tpu.memref_slice %arg6[%dma_wait3A_187, %dma_wait3A_188, %dma_wait3A_189] : memref<4x128x128xf32, #tpu.memory_space<vmem>> -> memref<1x128x128xf32, #tpu.memory_space<vmem>>
    %dma_wait3A_191 = tpu.memref_squeeze %dma_wait3A_190 : memref<1x128x128xf32, #tpu.memory_space<vmem>> -> memref<128x128xf32, #tpu.memory_space<vmem>>
    %dma_wait3A_192 = arith.constant 0 : i32
    %dma_wait3A_193 = tpu.memref_slice %arg4[%add3A_125, %dma_wait3A_192] : memref<32768x128xf32, #tpu.memory_space<hbm>> -> memref<128x128xf32, #tpu.memory_space<hbm>>
    %dma_wait3A_194 = arith.constant 0 : i32
    %dma_wait3A_195 = tpu.memref_slice %arg4[%add3A_125, %dma_wait3A_194] : memref<32768x128xf32, #tpu.memory_space<hbm>> -> memref<128x128xf32, #tpu.memory_space<hbm>>
    %dma_wait3A_196 = arith.constant 0 : i32
    %dma_wait3A_197 = arith.constant 0 : i32
    %dma_wait3A_198 = tpu.memref_slice %arg6[%dma_wait3A_187, %dma_wait3A_196, %dma_wait3A_197] : memref<4x128x128xf32, #tpu.memory_space<vmem>> -> memref<1x128x128xf32, #tpu.memory_space<vmem>>
    %dma_wait3A_199 = tpu.memref_squeeze %dma_wait3A_198 : memref<1x128x128xf32, #tpu.memory_space<vmem>> -> memref<128x128xf32, #tpu.memory_space<vmem>>
    tpu.wait_dma2 semaphore(%arg13 : memref<!tpu.dma_semaphore, #tpu.memory_space<semaphore_mem>>) src(%dma_wait3A_199 : memref<128x128xf32, #tpu.memory_space<vmem>>) dst(%dma_wait3A_195 : memref<128x128xf32, #tpu.memory_space<hbm>>)
    %dma_start3A_200 = arith.constant 2 : i32
    %dma_start3A_201 = arith.constant 0 : i32
    %dma_start3A_202 = arith.constant 0 : i32
    %dma_start3A_203 = tpu.memref_slice %arg6[%dma_start3A_200, %dma_start3A_201, %dma_start3A_202] : memref<4x128x128xf32, #tpu.memory_space<vmem>> -> memref<1x128x128xf32, #tpu.memory_space<vmem>>
    %dma_start3A_204 = tpu.memref_squeeze %dma_start3A_203 : memref<1x128x128xf32, #tpu.memory_space<vmem>> -> memref<128x128xf32, #tpu.memory_space<vmem>>
    %dma_start3A_205 = arith.constant 768 : i32
    %dma_start3A_206 = tpu.memref_slice %arg5[%dma_start3A_205] : memref<1024xi32, #tpu.memory_space<vmem>> -> memref<128xi32, #tpu.memory_space<vmem>>
    %dma_start3A_207 = arith.constant 0 : i32
    %dma_start3A_208 = arith.constant 0 : i32
    %dma_start3A_209 = tpu.memref_slice %arg2[%dma_start3A_207, %dma_start3A_208] : memref<1024x128xf32, #tpu.memory_space<hbm>> -> memref<1024x128xf32, #tpu.memory_space<hbm>>
    tpu.enqueue_indirect_dma source(%dma_start3A_209 : memref<1024x128xf32, #tpu.memory_space<hbm>>) target(%dma_start3A_204 : memref<128x128xf32, #tpu.memory_space<vmem>>) offsets(%dma_start3A_206 : memref<128xi32, #tpu.memory_space<vmem>>) semaphore(%arg9 : memref<!tpu.dma_semaphore, #tpu.memory_space<semaphore_mem>>)
    %dma_wait3A_210 = arith.constant 0 : i32
    %dma_wait3A_211 = arith.constant 0 : i32
    %dma_wait3A_212 = arith.constant 0 : i32
    %dma_wait3A_213 = tpu.memref_slice %arg6[%dma_wait3A_210, %dma_wait3A_211, %dma_wait3A_212] : memref<4x128x128xf32, #tpu.memory_space<vmem>> -> memref<1x128x128xf32, #tpu.memory_space<vmem>>
    %dma_wait3A_214 = tpu.memref_squeeze %dma_wait3A_213 : memref<1x128x128xf32, #tpu.memory_space<vmem>> -> memref<128x128xf32, #tpu.memory_space<vmem>>
    %dma_wait3A_215 = arith.constant 512 : i32
    %dma_wait3A_216 = tpu.memref_slice %arg5[%dma_wait3A_215] : memref<1024xi32, #tpu.memory_space<vmem>> -> memref<128xi32, #tpu.memory_space<vmem>>
    %dma_wait3A_217 = arith.constant 0 : i32
    %dma_wait3A_218 = arith.constant 0 : i32
    %dma_wait3A_219 = tpu.memref_slice %arg2[%dma_wait3A_217, %dma_wait3A_218] : memref<1024x128xf32, #tpu.memory_space<hbm>> -> memref<1024x128xf32, #tpu.memory_space<hbm>>
    tpu.wait_indirect_dma semaphore(%arg7 : memref<!tpu.dma_semaphore, #tpu.memory_space<semaphore_mem>>) src(%dma_wait3A_219 : memref<1024x128xf32, #tpu.memory_space<hbm>>) dst(%dma_wait3A_214 : memref<128x128xf32, #tpu.memory_space<vmem>>)
    %add3A_220 = arith.constant 512 : i32
    %add3A_221 = arith.addi %mul3A_2, %add3A_220 : i32
    %dma_start3A_222 = arith.constant 0 : i32
    %dma_start3A_223 = arith.constant 0 : i32
    %dma_start3A_224 = arith.constant 0 : i32
    %dma_start3A_225 = tpu.memref_slice %arg6[%dma_start3A_222, %dma_start3A_223, %dma_start3A_224] : memref<4x128x128xf32, #tpu.memory_space<vmem>> -> memref<1x128x128xf32, #tpu.memory_space<vmem>>
    %dma_start3A_226 = tpu.memref_squeeze %dma_start3A_225 : memref<1x128x128xf32, #tpu.memory_space<vmem>> -> memref<128x128xf32, #tpu.memory_space<vmem>>
    %dma_start3A_227 = arith.constant 0 : i32
    %dma_start3A_228 = tpu.memref_slice %arg4[%add3A_221, %dma_start3A_227] : memref<32768x128xf32, #tpu.memory_space<hbm>> -> memref<128x128xf32, #tpu.memory_space<hbm>>
    %dma_start3A_229 = arith.constant 0 : i32
    %dma_start3A_230 = tpu.memref_slice %arg4[%add3A_221, %dma_start3A_229] : memref<32768x128xf32, #tpu.memory_space<hbm>> -> memref<128x128xf32, #tpu.memory_space<hbm>>
    %dma_start3A_231 = arith.constant 0 : i32
    %dma_start3A_232 = arith.constant 0 : i32
    %dma_start3A_233 = tpu.memref_slice %arg6[%dma_start3A_222, %dma_start3A_231, %dma_start3A_232] : memref<4x128x128xf32, #tpu.memory_space<vmem>> -> memref<1x128x128xf32, #tpu.memory_space<vmem>>
    %dma_start3A_234 = tpu.memref_squeeze %dma_start3A_233 : memref<1x128x128xf32, #tpu.memory_space<vmem>> -> memref<128x128xf32, #tpu.memory_space<vmem>>
    tpu.enqueue_dma source(%dma_start3A_234 : memref<128x128xf32, #tpu.memory_space<vmem>>) target(%dma_start3A_230 : memref<128x128xf32, #tpu.memory_space<hbm>>) target_semaphore(%arg11 : memref<!tpu.dma_semaphore, #tpu.memory_space<semaphore_mem>>)
    %dma_wait3A_235 = arith.constant 3 : i32
    %dma_wait3A_236 = arith.constant 0 : i32
    %dma_wait3A_237 = arith.constant 0 : i32
    %dma_wait3A_238 = tpu.memref_slice %arg6[%dma_wait3A_235, %dma_wait3A_236, %dma_wait3A_237] : memref<4x128x128xf32, #tpu.memory_space<vmem>> -> memref<1x128x128xf32, #tpu.memory_space<vmem>>
    %dma_wait3A_239 = tpu.memref_squeeze %dma_wait3A_238 : memref<1x128x128xf32, #tpu.memory_space<vmem>> -> memref<128x128xf32, #tpu.memory_space<vmem>>
    %dma_wait3A_240 = arith.constant 0 : i32
    %dma_wait3A_241 = tpu.memref_slice %arg4[%add3A_173, %dma_wait3A_240] : memref<32768x128xf32, #tpu.memory_space<hbm>> -> memref<128x128xf32, #tpu.memory_space<hbm>>
    %dma_wait3A_242 = arith.constant 0 : i32
    %dma_wait3A_243 = tpu.memref_slice %arg4[%add3A_173, %dma_wait3A_242] : memref<32768x128xf32, #tpu.memory_space<hbm>> -> memref<128x128xf32, #tpu.memory_space<hbm>>
    %dma_wait3A_244 = arith.constant 0 : i32
    %dma_wait3A_245 = arith.constant 0 : i32
    %dma_wait3A_246 = tpu.memref_slice %arg6[%dma_wait3A_235, %dma_wait3A_244, %dma_wait3A_245] : memref<4x128x128xf32, #tpu.memory_space<vmem>> -> memref<1x128x128xf32, #tpu.memory_space<vmem>>
    %dma_wait3A_247 = tpu.memref_squeeze %dma_wait3A_246 : memref<1x128x128xf32, #tpu.memory_space<vmem>> -> memref<128x128xf32, #tpu.memory_space<vmem>>
    tpu.wait_dma2 semaphore(%arg14 : memref<!tpu.dma_semaphore, #tpu.memory_space<semaphore_mem>>) src(%dma_wait3A_247 : memref<128x128xf32, #tpu.memory_space<vmem>>) dst(%dma_wait3A_243 : memref<128x128xf32, #tpu.memory_space<hbm>>)
    %dma_start3A_248 = arith.constant 3 : i32
    %dma_start3A_249 = arith.constant 0 : i32
    %dma_start3A_250 = arith.constant 0 : i32
    %dma_start3A_251 = tpu.memref_slice %arg6[%dma_start3A_248, %dma_start3A_249, %dma_start3A_250] : memref<4x128x128xf32, #tpu.memory_space<vmem>> -> memref<1x128x128xf32, #tpu.memory_space<vmem>>
    %dma_start3A_252 = tpu.memref_squeeze %dma_start3A_251 : memref<1x128x128xf32, #tpu.memory_space<vmem>> -> memref<128x128xf32, #tpu.memory_space<vmem>>
    %dma_start3A_253 = arith.constant 896 : i32
    %dma_start3A_254 = tpu.memref_slice %arg5[%dma_start3A_253] : memref<1024xi32, #tpu.memory_space<vmem>> -> memref<128xi32, #tpu.memory_space<vmem>>
    %dma_start3A_255 = arith.constant 0 : i32
    %dma_start3A_256 = arith.constant 0 : i32
    %dma_start3A_257 = tpu.memref_slice %arg2[%dma_start3A_255, %dma_start3A_256] : memref<1024x128xf32, #tpu.memory_space<hbm>> -> memref<1024x128xf32, #tpu.memory_space<hbm>>
    tpu.enqueue_indirect_dma source(%dma_start3A_257 : memref<1024x128xf32, #tpu.memory_space<hbm>>) target(%dma_start3A_252 : memref<128x128xf32, #tpu.memory_space<vmem>>) offsets(%dma_start3A_254 : memref<128xi32, #tpu.memory_space<vmem>>) semaphore(%arg10 : memref<!tpu.dma_semaphore, #tpu.memory_space<semaphore_mem>>)
    %dma_wait3A_258 = arith.constant 1 : i32
    %dma_wait3A_259 = arith.constant 0 : i32
    %dma_wait3A_260 = arith.constant 0 : i32
    %dma_wait3A_261 = tpu.memref_slice %arg6[%dma_wait3A_258, %dma_wait3A_259, %dma_wait3A_260] : memref<4x128x128xf32, #tpu.memory_space<vmem>> -> memref<1x128x128xf32, #tpu.memory_space<vmem>>
    %dma_wait3A_262 = tpu.memref_squeeze %dma_wait3A_261 : memref<1x128x128xf32, #tpu.memory_space<vmem>> -> memref<128x128xf32, #tpu.memory_space<vmem>>
    %dma_wait3A_263 = arith.constant 640 : i32
    %dma_wait3A_264 = tpu.memref_slice %arg5[%dma_wait3A_263] : memref<1024xi32, #tpu.memory_space<vmem>> -> memref<128xi32, #tpu.memory_space<vmem>>
    %dma_wait3A_265 = arith.constant 0 : i32
    %dma_wait3A_266 = arith.constant 0 : i32
    %dma_wait3A_267 = tpu.memref_slice %arg2[%dma_wait3A_265, %dma_wait3A_266] : memref<1024x128xf32, #tpu.memory_space<hbm>> -> memref<1024x128xf32, #tpu.memory_space<hbm>>
    tpu.wait_indirect_dma semaphore(%arg8 : memref<!tpu.dma_semaphore, #tpu.memory_space<semaphore_mem>>) src(%dma_wait3A_267 : memref<1024x128xf32, #tpu.memory_space<hbm>>) dst(%dma_wait3A_262 : memref<128x128xf32, #tpu.memory_space<vmem>>)
    %add3A_268 = arith.constant 640 : i32
    %add3A_269 = arith.addi %mul3A_2, %add3A_268 : i32
    %dma_start3A_270 = arith.constant 1 : i32
    %dma_start3A_271 = arith.constant 0 : i32
    %dma_start3A_272 = arith.constant 0 : i32
    %dma_start3A_273 = tpu.memref_slice %arg6[%dma_start3A_270, %dma_start3A_271, %dma_start3A_272] : memref<4x128x128xf32, #tpu.memory_space<vmem>> -> memref<1x128x128xf32, #tpu.memory_space<vmem>>
    %dma_start3A_274 = tpu.memref_squeeze %dma_start3A_273 : memref<1x128x128xf32, #tpu.memory_space<vmem>> -> memref<128x128xf32, #tpu.memory_space<vmem>>
    %dma_start3A_275 = arith.constant 0 : i32
    %dma_start3A_276 = tpu.memref_slice %arg4[%add3A_269, %dma_start3A_275] : memref<32768x128xf32, #tpu.memory_space<hbm>> -> memref<128x128xf32, #tpu.memory_space<hbm>>
    %dma_start3A_277 = arith.constant 0 : i32
    %dma_start3A_278 = tpu.memref_slice %arg4[%add3A_269, %dma_start3A_277] : memref<32768x128xf32, #tpu.memory_space<hbm>> -> memref<128x128xf32, #tpu.memory_space<hbm>>
    %dma_start3A_279 = arith.constant 0 : i32
    %dma_start3A_280 = arith.constant 0 : i32
    %dma_start3A_281 = tpu.memref_slice %arg6[%dma_start3A_270, %dma_start3A_279, %dma_start3A_280] : memref<4x128x128xf32, #tpu.memory_space<vmem>> -> memref<1x128x128xf32, #tpu.memory_space<vmem>>
    %dma_start3A_282 = tpu.memref_squeeze %dma_start3A_281 : memref<1x128x128xf32, #tpu.memory_space<vmem>> -> memref<128x128xf32, #tpu.memory_space<vmem>>
    tpu.enqueue_dma source(%dma_start3A_282 : memref<128x128xf32, #tpu.memory_space<vmem>>) target(%dma_start3A_278 : memref<128x128xf32, #tpu.memory_space<hbm>>) target_semaphore(%arg12 : memref<!tpu.dma_semaphore, #tpu.memory_space<semaphore_mem>>)
    %dma_wait3A_283 = arith.constant 2 : i32
    %dma_wait3A_284 = arith.constant 0 : i32
    %dma_wait3A_285 = arith.constant 0 : i32
    %dma_wait3A_286 = tpu.memref_slice %arg6[%dma_wait3A_283, %dma_wait3A_284, %dma_wait3A_285] : memref<4x128x128xf32, #tpu.memory_space<vmem>> -> memref<1x128x128xf32, #tpu.memory_space<vmem>>
    %dma_wait3A_287 = tpu.memref_squeeze %dma_wait3A_286 : memref<1x128x128xf32, #tpu.memory_space<vmem>> -> memref<128x128xf32, #tpu.memory_space<vmem>>
    %dma_wait3A_288 = arith.constant 768 : i32
    %dma_wait3A_289 = tpu.memref_slice %arg5[%dma_wait3A_288] : memref<1024xi32, #tpu.memory_space<vmem>> -> memref<128xi32, #tpu.memory_space<vmem>>
    %dma_wait3A_290 = arith.constant 0 : i32
    %dma_wait3A_291 = arith.constant 0 : i32
    %dma_wait3A_292 = tpu.memref_slice %arg2[%dma_wait3A_290, %dma_wait3A_291] : memref<1024x128xf32, #tpu.memory_space<hbm>> -> memref<1024x128xf32, #tpu.memory_space<hbm>>
    tpu.wait_indirect_dma semaphore(%arg9 : memref<!tpu.dma_semaphore, #tpu.memory_space<semaphore_mem>>) src(%dma_wait3A_292 : memref<1024x128xf32, #tpu.memory_space<hbm>>) dst(%dma_wait3A_287 : memref<128x128xf32, #tpu.memory_space<vmem>>)
    %add3A_293 = arith.constant 768 : i32
    %add3A_294 = arith.addi %mul3A_2, %add3A_293 : i32
    %dma_start3A_295 = arith.constant 2 : i32
    %dma_start3A_296 = arith.constant 0 : i32
    %dma_start3A_297 = arith.constant 0 : i32
    %dma_start3A_298 = tpu.memref_slice %arg6[%dma_start3A_295, %dma_start3A_296, %dma_start3A_297] : memref<4x128x128xf32, #tpu.memory_space<vmem>> -> memref<1x128x128xf32, #tpu.memory_space<vmem>>
    %dma_start3A_299 = tpu.memref_squeeze %dma_start3A_298 : memref<1x128x128xf32, #tpu.memory_space<vmem>> -> memref<128x128xf32, #tpu.memory_space<vmem>>
    %dma_start3A_300 = arith.constant 0 : i32
    %dma_start3A_301 = tpu.memref_slice %arg4[%add3A_294, %dma_start3A_300] : memref<32768x128xf32, #tpu.memory_space<hbm>> -> memref<128x128xf32, #tpu.memory_space<hbm>>
    %dma_start3A_302 = arith.constant 0 : i32
    %dma_start3A_303 = tpu.memref_slice %arg4[%add3A_294, %dma_start3A_302] : memref<32768x128xf32, #tpu.memory_space<hbm>> -> memref<128x128xf32, #tpu.memory_space<hbm>>
    %dma_start3A_304 = arith.constant 0 : i32
    %dma_start3A_305 = arith.constant 0 : i32
    %dma_start3A_306 = tpu.memref_slice %arg6[%dma_start3A_295, %dma_start3A_304, %dma_start3A_305] : memref<4x128x128xf32, #tpu.memory_space<vmem>> -> memref<1x128x128xf32, #tpu.memory_space<vmem>>
    %dma_start3A_307 = tpu.memref_squeeze %dma_start3A_306 : memref<1x128x128xf32, #tpu.memory_space<vmem>> -> memref<128x128xf32, #tpu.memory_space<vmem>>
    tpu.enqueue_dma source(%dma_start3A_307 : memref<128x128xf32, #tpu.memory_space<vmem>>) target(%dma_start3A_303 : memref<128x128xf32, #tpu.memory_space<hbm>>) target_semaphore(%arg13 : memref<!tpu.dma_semaphore, #tpu.memory_space<semaphore_mem>>)
    %dma_wait3A_308 = arith.constant 3 : i32
    %dma_wait3A_309 = arith.constant 0 : i32
    %dma_wait3A_310 = arith.constant 0 : i32
    %dma_wait3A_311 = tpu.memref_slice %arg6[%dma_wait3A_308, %dma_wait3A_309, %dma_wait3A_310] : memref<4x128x128xf32, #tpu.memory_space<vmem>> -> memref<1x128x128xf32, #tpu.memory_space<vmem>>
    %dma_wait3A_312 = tpu.memref_squeeze %dma_wait3A_311 : memref<1x128x128xf32, #tpu.memory_space<vmem>> -> memref<128x128xf32, #tpu.memory_space<vmem>>
    %dma_wait3A_313 = arith.constant 896 : i32
    %dma_wait3A_314 = tpu.memref_slice %arg5[%dma_wait3A_313] : memref<1024xi32, #tpu.memory_space<vmem>> -> memref<128xi32, #tpu.memory_space<vmem>>
    %dma_wait3A_315 = arith.constant 0 : i32
    %dma_wait3A_316 = arith.constant 0 : i32
    %dma_wait3A_317 = tpu.memref_slice %arg2[%dma_wait3A_315, %dma_wait3A_316] : memref<1024x128xf32, #tpu.memory_space<hbm>> -> memref<1024x128xf32, #tpu.memory_space<hbm>>
    tpu.wait_indirect_dma semaphore(%arg10 : memref<!tpu.dma_semaphore, #tpu.memory_space<semaphore_mem>>) src(%dma_wait3A_317 : memref<1024x128xf32, #tpu.memory_space<hbm>>) dst(%dma_wait3A_312 : memref<128x128xf32, #tpu.memory_space<vmem>>)
    %add3A_318 = arith.constant 896 : i32
    %add3A_319 = arith.addi %mul3A_2, %add3A_318 : i32
    %dma_start3A_320 = arith.constant 3 : i32
    %dma_start3A_321 = arith.constant 0 : i32
    %dma_start3A_322 = arith.constant 0 : i32
    %dma_start3A_323 = tpu.memref_slice %arg6[%dma_start3A_320, %dma_start3A_321, %dma_start3A_322] : memref<4x128x128xf32, #tpu.memory_space<vmem>> -> memref<1x128x128xf32, #tpu.memory_space<vmem>>
    %dma_start3A_324 = tpu.memref_squeeze %dma_start3A_323 : memref<1x128x128xf32, #tpu.memory_space<vmem>> -> memref<128x128xf32, #tpu.memory_space<vmem>>
    %dma_start3A_325 = arith.constant 0 : i32
    %dma_start3A_326 = tpu.memref_slice %arg4[%add3A_319, %dma_start3A_325] : memref<32768x128xf32, #tpu.memory_space<hbm>> -> memref<128x128xf32, #tpu.memory_space<hbm>>
    %dma_start3A_327 = arith.constant 0 : i32
    %dma_start3A_328 = tpu.memref_slice %arg4[%add3A_319, %dma_start3A_327] : memref<32768x128xf32, #tpu.memory_space<hbm>> -> memref<128x128xf32, #tpu.memory_space<hbm>>
    %dma_start3A_329 = arith.constant 0 : i32
    %dma_start3A_330 = arith.constant 0 : i32
    %dma_start3A_331 = tpu.memref_slice %arg6[%dma_start3A_320, %dma_start3A_329, %dma_start3A_330] : memref<4x128x128xf32, #tpu.memory_space<vmem>> -> memref<1x128x128xf32, #tpu.memory_space<vmem>>
    %dma_start3A_332 = tpu.memref_squeeze %dma_start3A_331 : memref<1x128x128xf32, #tpu.memory_space<vmem>> -> memref<128x128xf32, #tpu.memory_space<vmem>>
    tpu.enqueue_dma source(%dma_start3A_332 : memref<128x128xf32, #tpu.memory_space<vmem>>) target(%dma_start3A_328 : memref<128x128xf32, #tpu.memory_space<hbm>>) target_semaphore(%arg14 : memref<!tpu.dma_semaphore, #tpu.memory_space<semaphore_mem>>)
    %dma_wait3A_333 = arith.constant 0 : i32
    %dma_wait3A_334 = arith.constant 0 : i32
    %dma_wait3A_335 = arith.constant 0 : i32
    %dma_wait3A_336 = tpu.memref_slice %arg6[%dma_wait3A_333, %dma_wait3A_334, %dma_wait3A_335] : memref<4x128x128xf32, #tpu.memory_space<vmem>> -> memref<1x128x128xf32, #tpu.memory_space<vmem>>
    %dma_wait3A_337 = tpu.memref_squeeze %dma_wait3A_336 : memref<1x128x128xf32, #tpu.memory_space<vmem>> -> memref<128x128xf32, #tpu.memory_space<vmem>>
    %dma_wait3A_338 = arith.constant 0 : i32
    %dma_wait3A_339 = tpu.memref_slice %arg4[%add3A_221, %dma_wait3A_338] : memref<32768x128xf32, #tpu.memory_space<hbm>> -> memref<128x128xf32, #tpu.memory_space<hbm>>
    %dma_wait3A_340 = arith.constant 0 : i32
    %dma_wait3A_341 = tpu.memref_slice %arg4[%add3A_221, %dma_wait3A_340] : memref<32768x128xf32, #tpu.memory_space<hbm>> -> memref<128x128xf32, #tpu.memory_space<hbm>>
    %dma_wait3A_342 = arith.constant 0 : i32
    %dma_wait3A_343 = arith.constant 0 : i32
    %dma_wait3A_344 = tpu.memref_slice %arg6[%dma_wait3A_333, %dma_wait3A_342, %dma_wait3A_343] : memref<4x128x128xf32, #tpu.memory_space<vmem>> -> memref<1x128x128xf32, #tpu.memory_space<vmem>>
    %dma_wait3A_345 = tpu.memref_squeeze %dma_wait3A_344 : memref<1x128x128xf32, #tpu.memory_space<vmem>> -> memref<128x128xf32, #tpu.memory_space<vmem>>
    tpu.wait_dma2 semaphore(%arg11 : memref<!tpu.dma_semaphore, #tpu.memory_space<semaphore_mem>>) src(%dma_wait3A_345 : memref<128x128xf32, #tpu.memory_space<vmem>>) dst(%dma_wait3A_341 : memref<128x128xf32, #tpu.memory_space<hbm>>)
    %dma_wait3A_346 = arith.constant 1 : i32
    %dma_wait3A_347 = arith.constant 0 : i32
    %dma_wait3A_348 = arith.constant 0 : i32
    %dma_wait3A_349 = tpu.memref_slice %arg6[%dma_wait3A_346, %dma_wait3A_347, %dma_wait3A_348] : memref<4x128x128xf32, #tpu.memory_space<vmem>> -> memref<1x128x128xf32, #tpu.memory_space<vmem>>
    %dma_wait3A_350 = tpu.memref_squeeze %dma_wait3A_349 : memref<1x128x128xf32, #tpu.memory_space<vmem>> -> memref<128x128xf32, #tpu.memory_space<vmem>>
    %dma_wait3A_351 = arith.constant 0 : i32
    %dma_wait3A_352 = tpu.memref_slice %arg4[%add3A_269, %dma_wait3A_351] : memref<32768x128xf32, #tpu.memory_space<hbm>> -> memref<128x128xf32, #tpu.memory_space<hbm>>
    %dma_wait3A_353 = arith.constant 0 : i32
    %dma_wait3A_354 = tpu.memref_slice %arg4[%add3A_269, %dma_wait3A_353] : memref<32768x128xf32, #tpu.memory_space<hbm>> -> memref<128x128xf32, #tpu.memory_space<hbm>>
    %dma_wait3A_355 = arith.constant 0 : i32
    %dma_wait3A_356 = arith.constant 0 : i32
    %dma_wait3A_357 = tpu.memref_slice %arg6[%dma_wait3A_346, %dma_wait3A_355, %dma_wait3A_356] : memref<4x128x128xf32, #tpu.memory_space<vmem>> -> memref<1x128x128xf32, #tpu.memory_space<vmem>>
    %dma_wait3A_358 = tpu.memref_squeeze %dma_wait3A_357 : memref<1x128x128xf32, #tpu.memory_space<vmem>> -> memref<128x128xf32, #tpu.memory_space<vmem>>
    tpu.wait_dma2 semaphore(%arg12 : memref<!tpu.dma_semaphore, #tpu.memory_space<semaphore_mem>>) src(%dma_wait3A_358 : memref<128x128xf32, #tpu.memory_space<vmem>>) dst(%dma_wait3A_354 : memref<128x128xf32, #tpu.memory_space<hbm>>)
    %dma_wait3A_359 = arith.constant 2 : i32
    %dma_wait3A_360 = arith.constant 0 : i32
    %dma_wait3A_361 = arith.constant 0 : i32
    %dma_wait3A_362 = tpu.memref_slice %arg6[%dma_wait3A_359, %dma_wait3A_360, %dma_wait3A_361] : memref<4x128x128xf32, #tpu.memory_space<vmem>> -> memref<1x128x128xf32, #tpu.memory_space<vmem>>
    %dma_wait3A_363 = tpu.memref_squeeze %dma_wait3A_362 : memref<1x128x128xf32, #tpu.memory_space<vmem>> -> memref<128x128xf32, #tpu.memory_space<vmem>>
    %dma_wait3A_364 = arith.constant 0 : i32
    %dma_wait3A_365 = tpu.memref_slice %arg4[%add3A_294, %dma_wait3A_364] : memref<32768x128xf32, #tpu.memory_space<hbm>> -> memref<128x128xf32, #tpu.memory_space<hbm>>
    %dma_wait3A_366 = arith.constant 0 : i32
    %dma_wait3A_367 = tpu.memref_slice %arg4[%add3A_294, %dma_wait3A_366] : memref<32768x128xf32, #tpu.memory_space<hbm>> -> memref<128x128xf32, #tpu.memory_space<hbm>>
    %dma_wait3A_368 = arith.constant 0 : i32
    %dma_wait3A_369 = arith.constant 0 : i32
    %dma_wait3A_370 = tpu.memref_slice %arg6[%dma_wait3A_359, %dma_wait3A_368, %dma_wait3A_369] : memref<4x128x128xf32, #tpu.memory_space<vmem>> -> memref<1x128x128xf32, #tpu.memory_space<vmem>>
    %dma_wait3A_371 = tpu.memref_squeeze %dma_wait3A_370 : memref<1x128x128xf32, #tpu.memory_space<vmem>> -> memref<128x128xf32, #tpu.memory_space<vmem>>
    tpu.wait_dma2 semaphore(%arg13 : memref<!tpu.dma_semaphore, #tpu.memory_space<semaphore_mem>>) src(%dma_wait3A_371 : memref<128x128xf32, #tpu.memory_space<vmem>>) dst(%dma_wait3A_367 : memref<128x128xf32, #tpu.memory_space<hbm>>)
    %dma_wait3A_372 = arith.constant 3 : i32
    %dma_wait3A_373 = arith.constant 0 : i32
    %dma_wait3A_374 = arith.constant 0 : i32
    %dma_wait3A_375 = tpu.memref_slice %arg6[%dma_wait3A_372, %dma_wait3A_373, %dma_wait3A_374] : memref<4x128x128xf32, #tpu.memory_space<vmem>> -> memref<1x128x128xf32, #tpu.memory_space<vmem>>
    %dma_wait3A_376 = tpu.memref_squeeze %dma_wait3A_375 : memref<1x128x128xf32, #tpu.memory_space<vmem>> -> memref<128x128xf32, #tpu.memory_space<vmem>>
    %dma_wait3A_377 = arith.constant 0 : i32
    %dma_wait3A_378 = tpu.memref_slice %arg4[%add3A_319, %dma_wait3A_377] : memref<32768x128xf32, #tpu.memory_space<hbm>> -> memref<128x128xf32, #tpu.memory_space<hbm>>
    %dma_wait3A_379 = arith.constant 0 : i32
    %dma_wait3A_380 = tpu.memref_slice %arg4[%add3A_319, %dma_wait3A_379] : memref<32768x128xf32, #tpu.memory_space<hbm>> -> memref<128x128xf32, #tpu.memory_space<hbm>>
    %dma_wait3A_381 = arith.constant 0 : i32
    %dma_wait3A_382 = arith.constant 0 : i32
    %dma_wait3A_383 = tpu.memref_slice %arg6[%dma_wait3A_372, %dma_wait3A_381, %dma_wait3A_382] : memref<4x128x128xf32, #tpu.memory_space<vmem>> -> memref<1x128x128xf32, #tpu.memory_space<vmem>>
    %dma_wait3A_384 = tpu.memref_squeeze %dma_wait3A_383 : memref<1x128x128xf32, #tpu.memory_space<vmem>> -> memref<128x128xf32, #tpu.memory_space<vmem>>
    tpu.wait_dma2 semaphore(%arg14 : memref<!tpu.dma_semaphore, #tpu.memory_space<semaphore_mem>>) src(%dma_wait3A_384 : memref<128x128xf32, #tpu.memory_space<vmem>>) dst(%dma_wait3A_380 : memref<128x128xf32, #tpu.memory_space<hbm>>)
    return
  }
}

module attributes {stable_mosaic.version = 14 : i64} {
  func.func @_dist_argmin_body(%arg0: i32, %arg1: memref<1024x64xf32, #tpu.memory_space<vmem>>, %arg2: memref<1024x64xf32, #tpu.memory_space<vmem>>, %arg3: memref<1024xi32, #tpu.memory_space<vmem>>, %arg4: memref<1xf32, #tpu.memory_space<smem>>, %arg5: memref<1024x64xf32, #tpu.memory_space<vmem>>, %arg6: memref<1024x1xf32, #tpu.memory_space<vmem>>) attributes {dimension_semantics = [#tpu.dimension_semantics<arbitrary>], iteration_bounds = array<i64: 32>, scalar_prefetch = 0 : i64, scratch_operands = 2 : i64, tpu.core_type = #tpu.core_type<tc>, window_params = [{transform_indices = @transform_0, window_bounds = array<i64: 1024, 64>}, {pipeline_mode = #tpu.pipeline_mode<synchronous>, transform_indices = @transform_1, window_bounds = array<i64: 1024, 64>}, {transform_indices = @transform_2, window_bounds = array<i64: 1024>}, {transform_indices = @transform_3, window_bounds = array<i64: 1>}]} {
    %eq3A = arith.constant 0 : i32
    %eq3A_0 = arith.cmpi eq, %arg0, %eq3A : i32
    %convert_element_type3A = arith.extui %eq3A_0 : i1 to i32
    %cond3A = arith.constant 0 : i32
    %cond3A_1 = arith.cmpi ne, %convert_element_type3A, %cond3A : i32
    scf.if %cond3A_1 {
      %get3A_1185 = arith.constant 0 : index
      %get3A_1186 = arith.constant 0 : index
      %get3A_1187 = vector.load %arg2[%get3A_1185, %get3A_1186] : memref<1024x64xf32, #tpu.memory_space<vmem>>, vector<1024x64xf32>
      %mul3A_1188 = arith.constant -2.000000e+00 : f32
      %mul3A_1189 = vector.broadcast %mul3A_1188 : f32 to vector<1024x64xf32>
      %mul3A_1190 = arith.mulf %mul3A_1189, %get3A_1187 : vector<1024x64xf32>
      %swap3A_1191 = arith.constant 0 : index
      %swap3A_1192 = arith.constant 0 : index
      %swap3A_1193 = vector.load %arg5[%swap3A_1191, %swap3A_1192] : memref<1024x64xf32, #tpu.memory_space<vmem>>, vector<1024x64xf32>
      tpu.vector_store %arg5[%swap3A_1191, %swap3A_1192], %mul3A_1190 {strides = array<i32>} : memref<1024x64xf32, #tpu.memory_space<vmem>>, vector<1024x64xf32>,
      %mul3A_1194 = arith.mulf %get3A_1187, %get3A_1187 : vector<1024x64xf32>
      %reduce_sum3A_1195 = arith.constant dense<0.000000e+00> : vector<1024xf32>
      %reduce_sum3A_1196 = vector.multi_reduction <add>, %mul3A_1194, %reduce_sum3A_1195 [1] : vector<1024x64xf32> to vector<1024xf32>
      %broadcast_in_dim3A_1197 = vector.shape_cast %reduce_sum3A_1196 : vector<1024xf32> to vector<1024x1xf32>
      %swap3A_1198 = arith.constant 0 : index
      %swap3A_1199 = arith.constant 0 : index
      %swap3A_1200 = vector.load %arg6[%swap3A_1198, %swap3A_1199] : memref<1024x1xf32, #tpu.memory_space<vmem>>, vector<1024x1xf32>
      tpu.vector_store %arg6[%swap3A_1198, %swap3A_1199], %broadcast_in_dim3A_1197 {strides = array<i32>} : memref<1024x1xf32, #tpu.memory_space<vmem>>, vector<1024x1xf32>,
      %swap3A_1201 = arith.constant 0.000000e+00 : f32
      %swap3A_1202 = arith.constant 0 : index
      %swap3A_1203 = memref.load %arg4[%swap3A_1202] : memref<1xf32, #tpu.memory_space<smem>>
      memref.store %swap3A_1201, %arg4[%swap3A_1202] : memref<1xf32, #tpu.memory_space<smem>>
    } else {
    }
    %get3A = arith.constant 0 : index
    %get3A_2 = arith.constant 0 : index
    %get3A_3 = vector.load %arg1[%get3A, %get3A_2] : memref<1024x64xf32, #tpu.memory_space<vmem>>, vector<1024x64xf32>
    %get3A_4 = arith.constant 0 : index
    %get3A_5 = arith.constant 0 : index
    %get3A_6 = vector.load %arg5[%get3A_4, %get3A_5] : memref<1024x64xf32, #tpu.memory_space<vmem>>, vector<1024x64xf32>
    %dot_general3A = arith.constant dense<0.000000e+00> : vector<1024x1024xf32>
    %dot_general3A_7 = tpu.matmul %get3A_6, %get3A_3, %dot_general3A {dimension_numbers = #tpu.dot_dimension_numbers<[1], [1], [0], [0], [0, 0, 1, 0], [], []>, transpose_lhs_hint = false} : vector<1024x64xf32>, vector<1024x64xf32>, vector<1024x1024xf32> -> vector<1024x1024xf32>
    %get3A_8 = arith.constant 0 : index
    %get3A_9 = arith.constant 0 : index
    %get3A_10 = vector.load %arg6[%get3A_8, %get3A_9] : memref<1024x1xf32, #tpu.memory_space<vmem>>, vector<1024x1xf32>
    %slice3A = vector.extract_strided_slice %dot_general3A_7 {offsets = [0, 0], sizes = [8, 1024], strides = [1, 1]} : vector<1024x1024xf32> to vector<8x1024xf32>
    %slice3A_11 = vector.extract_strided_slice %get3A_10 {offsets = [0, 0], sizes = [8, 1], strides = [1, 1]} : vector<1024x1xf32> to vector<8x1xf32>
    %add3A = vector.broadcast %slice3A_11 : vector<8x1xf32> to vector<8x1024xf32>
    %add3A_12 = arith.addf %slice3A, %add3A : vector<8x1024xf32>
    %broadcast_in_dim3A = arith.constant 0.000000e+00 : f32
    %broadcast_in_dim3A_13 = vector.broadcast %broadcast_in_dim3A : f32 to vector<8x1024xf32>
    %slice3A_14 = vector.extract_strided_slice %dot_general3A_7 {offsets = [8, 0], sizes = [8, 1024], strides = [1, 1]} : vector<1024x1024xf32> to vector<8x1024xf32>
    %slice3A_15 = vector.extract_strided_slice %get3A_10 {offsets = [8, 0], sizes = [8, 1], strides = [1, 1]} : vector<1024x1xf32> to vector<8x1xf32>
    %add3A_16 = vector.broadcast %slice3A_15 : vector<8x1xf32> to vector<8x1024xf32>
    %add3A_17 = arith.addf %slice3A_14, %add3A_16 : vector<8x1024xf32>
    %lt3A = arith.cmpf olt, %add3A_17, %add3A_12 : vector<8x1024xf32>
    %select_n3A = arith.select %lt3A, %add3A_17, %add3A_12 : vector<8x1024xi1>, vector<8x1024xf32>
    %jit3A = arith.constant 1.000000e+00 : f32
    %broadcast_in_dim3A_18 = vector.broadcast %jit3A : f32 to vector<8x1024xf32>
    %select_n3A_19 = arith.select %lt3A, %broadcast_in_dim3A_18, %broadcast_in_dim3A_13 : vector<8x1024xi1>, vector<8x1024xf32>
    %slice3A_20 = vector.extract_strided_slice %dot_general3A_7 {offsets = [16, 0], sizes = [8, 1024], strides = [1, 1]} : vector<1024x1024xf32> to vector<8x1024xf32>
    %slice3A_21 = vector.extract_strided_slice %get3A_10 {offsets = [16, 0], sizes = [8, 1], strides = [1, 1]} : vector<1024x1xf32> to vector<8x1xf32>
    %add3A_22 = vector.broadcast %slice3A_21 : vector<8x1xf32> to vector<8x1024xf32>
    %add3A_23 = arith.addf %slice3A_20, %add3A_22 : vector<8x1024xf32>
    %lt3A_24 = arith.cmpf olt, %add3A_23, %select_n3A : vector<8x1024xf32>
    %select_n3A_25 = arith.select %lt3A_24, %add3A_23, %select_n3A : vector<8x1024xi1>, vector<8x1024xf32>
    %jit3A_26 = arith.constant 2.000000e+00 : f32
    %broadcast_in_dim3A_27 = vector.broadcast %jit3A_26 : f32 to vector<8x1024xf32>
    %select_n3A_28 = arith.select %lt3A_24, %broadcast_in_dim3A_27, %select_n3A_19 : vector<8x1024xi1>, vector<8x1024xf32>
    %slice3A_29 = vector.extract_strided_slice %dot_general3A_7 {offsets = [24, 0], sizes = [8, 1024], strides = [1, 1]} : vector<1024x1024xf32> to vector<8x1024xf32>
    %slice3A_30 = vector.extract_strided_slice %get3A_10 {offsets = [24, 0], sizes = [8, 1], strides = [1, 1]} : vector<1024x1xf32> to vector<8x1xf32>
    %add3A_31 = vector.broadcast %slice3A_30 : vector<8x1xf32> to vector<8x1024xf32>
    %add3A_32 = arith.addf %slice3A_29, %add3A_31 : vector<8x1024xf32>
    %lt3A_33 = arith.cmpf olt, %add3A_32, %select_n3A_25 : vector<8x1024xf32>
    %select_n3A_34 = arith.select %lt3A_33, %add3A_32, %select_n3A_25 : vector<8x1024xi1>, vector<8x1024xf32>
    %jit3A_35 = arith.constant 3.000000e+00 : f32
    %broadcast_in_dim3A_36 = vector.broadcast %jit3A_35 : f32 to vector<8x1024xf32>
    %select_n3A_37 = arith.select %lt3A_33, %broadcast_in_dim3A_36, %select_n3A_28 : vector<8x1024xi1>, vector<8x1024xf32>
    %slice3A_38 = vector.extract_strided_slice %dot_general3A_7 {offsets = [32, 0], sizes = [8, 1024], strides = [1, 1]} : vector<1024x1024xf32> to vector<8x1024xf32>
    %slice3A_39 = vector.extract_strided_slice %get3A_10 {offsets = [32, 0], sizes = [8, 1], strides = [1, 1]} : vector<1024x1xf32> to vector<8x1xf32>
    %add3A_40 = vector.broadcast %slice3A_39 : vector<8x1xf32> to vector<8x1024xf32>
    %add3A_41 = arith.addf %slice3A_38, %add3A_40 : vector<8x1024xf32>
    %lt3A_42 = arith.cmpf olt, %add3A_41, %select_n3A_34 : vector<8x1024xf32>
    %select_n3A_43 = arith.select %lt3A_42, %add3A_41, %select_n3A_34 : vector<8x1024xi1>, vector<8x1024xf32>
    %jit3A_44 = arith.constant 4.000000e+00 : f32
    %broadcast_in_dim3A_45 = vector.broadcast %jit3A_44 : f32 to vector<8x1024xf32>
    %select_n3A_46 = arith.select %lt3A_42, %broadcast_in_dim3A_45, %select_n3A_37 : vector<8x1024xi1>, vector<8x1024xf32>
    %slice3A_47 = vector.extract_strided_slice %dot_general3A_7 {offsets = [40, 0], sizes = [8, 1024], strides = [1, 1]} : vector<1024x1024xf32> to vector<8x1024xf32>
    %slice3A_48 = vector.extract_strided_slice %get3A_10 {offsets = [40, 0], sizes = [8, 1], strides = [1, 1]} : vector<1024x1xf32> to vector<8x1xf32>
    %add3A_49 = vector.broadcast %slice3A_48 : vector<8x1xf32> to vector<8x1024xf32>
    %add3A_50 = arith.addf %slice3A_47, %add3A_49 : vector<8x1024xf32>
    %lt3A_51 = arith.cmpf olt, %add3A_50, %select_n3A_43 : vector<8x1024xf32>
    %select_n3A_52 = arith.select %lt3A_51, %add3A_50, %select_n3A_43 : vector<8x1024xi1>, vector<8x1024xf32>
    %jit3A_53 = arith.constant 5.000000e+00 : f32
    %broadcast_in_dim3A_54 = vector.broadcast %jit3A_53 : f32 to vector<8x1024xf32>
    %select_n3A_55 = arith.select %lt3A_51, %broadcast_in_dim3A_54, %select_n3A_46 : vector<8x1024xi1>, vector<8x1024xf32>
    %slice3A_56 = vector.extract_strided_slice %dot_general3A_7 {offsets = [48, 0], sizes = [8, 1024], strides = [1, 1]} : vector<1024x1024xf32> to vector<8x1024xf32>
    %slice3A_57 = vector.extract_strided_slice %get3A_10 {offsets = [48, 0], sizes = [8, 1], strides = [1, 1]} : vector<1024x1xf32> to vector<8x1xf32>
    %add3A_58 = vector.broadcast %slice3A_57 : vector<8x1xf32> to vector<8x1024xf32>
    %add3A_59 = arith.addf %slice3A_56, %add3A_58 : vector<8x1024xf32>
    %lt3A_60 = arith.cmpf olt, %add3A_59, %select_n3A_52 : vector<8x1024xf32>
    %select_n3A_61 = arith.select %lt3A_60, %add3A_59, %select_n3A_52 : vector<8x1024xi1>, vector<8x1024xf32>
    %jit3A_62 = arith.constant 6.000000e+00 : f32
    %broadcast_in_dim3A_63 = vector.broadcast %jit3A_62 : f32 to vector<8x1024xf32>
    %select_n3A_64 = arith.select %lt3A_60, %broadcast_in_dim3A_63, %select_n3A_55 : vector<8x1024xi1>, vector<8x1024xf32>
    %slice3A_65 = vector.extract_strided_slice %dot_general3A_7 {offsets = [56, 0], sizes = [8, 1024], strides = [1, 1]} : vector<1024x1024xf32> to vector<8x1024xf32>
    %slice3A_66 = vector.extract_strided_slice %get3A_10 {offsets = [56, 0], sizes = [8, 1], strides = [1, 1]} : vector<1024x1xf32> to vector<8x1xf32>
    %add3A_67 = vector.broadcast %slice3A_66 : vector<8x1xf32> to vector<8x1024xf32>
    %add3A_68 = arith.addf %slice3A_65, %add3A_67 : vector<8x1024xf32>
    %lt3A_69 = arith.cmpf olt, %add3A_68, %select_n3A_61 : vector<8x1024xf32>
    %select_n3A_70 = arith.select %lt3A_69, %add3A_68, %select_n3A_61 : vector<8x1024xi1>, vector<8x1024xf32>
    %jit3A_71 = arith.constant 7.000000e+00 : f32
    %broadcast_in_dim3A_72 = vector.broadcast %jit3A_71 : f32 to vector<8x1024xf32>
    %select_n3A_73 = arith.select %lt3A_69, %broadcast_in_dim3A_72, %select_n3A_64 : vector<8x1024xi1>, vector<8x1024xf32>
    %slice3A_74 = vector.extract_strided_slice %dot_general3A_7 {offsets = [64, 0], sizes = [8, 1024], strides = [1, 1]} : vector<1024x1024xf32> to vector<8x1024xf32>
    %slice3A_75 = vector.extract_strided_slice %get3A_10 {offsets = [64, 0], sizes = [8, 1], strides = [1, 1]} : vector<1024x1xf32> to vector<8x1xf32>
    %add3A_76 = vector.broadcast %slice3A_75 : vector<8x1xf32> to vector<8x1024xf32>
    %add3A_77 = arith.addf %slice3A_74, %add3A_76 : vector<8x1024xf32>
    %lt3A_78 = arith.cmpf olt, %add3A_77, %select_n3A_70 : vector<8x1024xf32>
    %select_n3A_79 = arith.select %lt3A_78, %add3A_77, %select_n3A_70 : vector<8x1024xi1>, vector<8x1024xf32>
    %jit3A_80 = arith.constant 8.000000e+00 : f32
    %broadcast_in_dim3A_81 = vector.broadcast %jit3A_80 : f32 to vector<8x1024xf32>
    %select_n3A_82 = arith.select %lt3A_78, %broadcast_in_dim3A_81, %select_n3A_73 : vector<8x1024xi1>, vector<8x1024xf32>
    %slice3A_83 = vector.extract_strided_slice %dot_general3A_7 {offsets = [72, 0], sizes = [8, 1024], strides = [1, 1]} : vector<1024x1024xf32> to vector<8x1024xf32>
    %slice3A_84 = vector.extract_strided_slice %get3A_10 {offsets = [72, 0], sizes = [8, 1], strides = [1, 1]} : vector<1024x1xf32> to vector<8x1xf32>
    %add3A_85 = vector.broadcast %slice3A_84 : vector<8x1xf32> to vector<8x1024xf32>
    %add3A_86 = arith.addf %slice3A_83, %add3A_85 : vector<8x1024xf32>
    %lt3A_87 = arith.cmpf olt, %add3A_86, %select_n3A_79 : vector<8x1024xf32>
    %select_n3A_88 = arith.select %lt3A_87, %add3A_86, %select_n3A_79 : vector<8x1024xi1>, vector<8x1024xf32>
    %jit3A_89 = arith.constant 9.000000e+00 : f32
    %broadcast_in_dim3A_90 = vector.broadcast %jit3A_89 : f32 to vector<8x1024xf32>
    %select_n3A_91 = arith.select %lt3A_87, %broadcast_in_dim3A_90, %select_n3A_82 : vector<8x1024xi1>, vector<8x1024xf32>
    %slice3A_92 = vector.extract_strided_slice %dot_general3A_7 {offsets = [80, 0], sizes = [8, 1024], strides = [1, 1]} : vector<1024x1024xf32> to vector<8x1024xf32>
    %slice3A_93 = vector.extract_strided_slice %get3A_10 {offsets = [80, 0], sizes = [8, 1], strides = [1, 1]} : vector<1024x1xf32> to vector<8x1xf32>
    %add3A_94 = vector.broadcast %slice3A_93 : vector<8x1xf32> to vector<8x1024xf32>
    %add3A_95 = arith.addf %slice3A_92, %add3A_94 : vector<8x1024xf32>
    %lt3A_96 = arith.cmpf olt, %add3A_95, %select_n3A_88 : vector<8x1024xf32>
    %select_n3A_97 = arith.select %lt3A_96, %add3A_95, %select_n3A_88 : vector<8x1024xi1>, vector<8x1024xf32>
    %jit3A_98 = arith.constant 1.000000e+01 : f32
    %broadcast_in_dim3A_99 = vector.broadcast %jit3A_98 : f32 to vector<8x1024xf32>
    %select_n3A_100 = arith.select %lt3A_96, %broadcast_in_dim3A_99, %select_n3A_91 : vector<8x1024xi1>, vector<8x1024xf32>
    %slice3A_101 = vector.extract_strided_slice %dot_general3A_7 {offsets = [88, 0], sizes = [8, 1024], strides = [1, 1]} : vector<1024x1024xf32> to vector<8x1024xf32>
    %slice3A_102 = vector.extract_strided_slice %get3A_10 {offsets = [88, 0], sizes = [8, 1], strides = [1, 1]} : vector<1024x1xf32> to vector<8x1xf32>
    %add3A_103 = vector.broadcast %slice3A_102 : vector<8x1xf32> to vector<8x1024xf32>
    %add3A_104 = arith.addf %slice3A_101, %add3A_103 : vector<8x1024xf32>
    %lt3A_105 = arith.cmpf olt, %add3A_104, %select_n3A_97 : vector<8x1024xf32>
    %select_n3A_106 = arith.select %lt3A_105, %add3A_104, %select_n3A_97 : vector<8x1024xi1>, vector<8x1024xf32>
    %jit3A_107 = arith.constant 1.100000e+01 : f32
    %broadcast_in_dim3A_108 = vector.broadcast %jit3A_107 : f32 to vector<8x1024xf32>
    %select_n3A_109 = arith.select %lt3A_105, %broadcast_in_dim3A_108, %select_n3A_100 : vector<8x1024xi1>, vector<8x1024xf32>
    %slice3A_110 = vector.extract_strided_slice %dot_general3A_7 {offsets = [96, 0], sizes = [8, 1024], strides = [1, 1]} : vector<1024x1024xf32> to vector<8x1024xf32>
    %slice3A_111 = vector.extract_strided_slice %get3A_10 {offsets = [96, 0], sizes = [8, 1], strides = [1, 1]} : vector<1024x1xf32> to vector<8x1xf32>
    %add3A_112 = vector.broadcast %slice3A_111 : vector<8x1xf32> to vector<8x1024xf32>
    %add3A_113 = arith.addf %slice3A_110, %add3A_112 : vector<8x1024xf32>
    %lt3A_114 = arith.cmpf olt, %add3A_113, %select_n3A_106 : vector<8x1024xf32>
    %select_n3A_115 = arith.select %lt3A_114, %add3A_113, %select_n3A_106 : vector<8x1024xi1>, vector<8x1024xf32>
    %jit3A_116 = arith.constant 1.200000e+01 : f32
    %broadcast_in_dim3A_117 = vector.broadcast %jit3A_116 : f32 to vector<8x1024xf32>
    %select_n3A_118 = arith.select %lt3A_114, %broadcast_in_dim3A_117, %select_n3A_109 : vector<8x1024xi1>, vector<8x1024xf32>
    %slice3A_119 = vector.extract_strided_slice %dot_general3A_7 {offsets = [104, 0], sizes = [8, 1024], strides = [1, 1]} : vector<1024x1024xf32> to vector<8x1024xf32>
    %slice3A_120 = vector.extract_strided_slice %get3A_10 {offsets = [104, 0], sizes = [8, 1], strides = [1, 1]} : vector<1024x1xf32> to vector<8x1xf32>
    %add3A_121 = vector.broadcast %slice3A_120 : vector<8x1xf32> to vector<8x1024xf32>
    %add3A_122 = arith.addf %slice3A_119, %add3A_121 : vector<8x1024xf32>
    %lt3A_123 = arith.cmpf olt, %add3A_122, %select_n3A_115 : vector<8x1024xf32>
    %select_n3A_124 = arith.select %lt3A_123, %add3A_122, %select_n3A_115 : vector<8x1024xi1>, vector<8x1024xf32>
    %jit3A_125 = arith.constant 1.300000e+01 : f32
    %broadcast_in_dim3A_126 = vector.broadcast %jit3A_125 : f32 to vector<8x1024xf32>
    %select_n3A_127 = arith.select %lt3A_123, %broadcast_in_dim3A_126, %select_n3A_118 : vector<8x1024xi1>, vector<8x1024xf32>
    %slice3A_128 = vector.extract_strided_slice %dot_general3A_7 {offsets = [112, 0], sizes = [8, 1024], strides = [1, 1]} : vector<1024x1024xf32> to vector<8x1024xf32>
    %slice3A_129 = vector.extract_strided_slice %get3A_10 {offsets = [112, 0], sizes = [8, 1], strides = [1, 1]} : vector<1024x1xf32> to vector<8x1xf32>
    %add3A_130 = vector.broadcast %slice3A_129 : vector<8x1xf32> to vector<8x1024xf32>
    %add3A_131 = arith.addf %slice3A_128, %add3A_130 : vector<8x1024xf32>
    %lt3A_132 = arith.cmpf olt, %add3A_131, %select_n3A_124 : vector<8x1024xf32>
    %select_n3A_133 = arith.select %lt3A_132, %add3A_131, %select_n3A_124 : vector<8x1024xi1>, vector<8x1024xf32>
    %jit3A_134 = arith.constant 1.400000e+01 : f32
    %broadcast_in_dim3A_135 = vector.broadcast %jit3A_134 : f32 to vector<8x1024xf32>
    %select_n3A_136 = arith.select %lt3A_132, %broadcast_in_dim3A_135, %select_n3A_127 : vector<8x1024xi1>, vector<8x1024xf32>
    %slice3A_137 = vector.extract_strided_slice %dot_general3A_7 {offsets = [120, 0], sizes = [8, 1024], strides = [1, 1]} : vector<1024x1024xf32> to vector<8x1024xf32>
    %slice3A_138 = vector.extract_strided_slice %get3A_10 {offsets = [120, 0], sizes = [8, 1], strides = [1, 1]} : vector<1024x1xf32> to vector<8x1xf32>
    %add3A_139 = vector.broadcast %slice3A_138 : vector<8x1xf32> to vector<8x1024xf32>
    %add3A_140 = arith.addf %slice3A_137, %add3A_139 : vector<8x1024xf32>
    %lt3A_141 = arith.cmpf olt, %add3A_140, %select_n3A_133 : vector<8x1024xf32>
    %select_n3A_142 = arith.select %lt3A_141, %add3A_140, %select_n3A_133 : vector<8x1024xi1>, vector<8x1024xf32>
    %jit3A_143 = arith.constant 1.500000e+01 : f32
    %broadcast_in_dim3A_144 = vector.broadcast %jit3A_143 : f32 to vector<8x1024xf32>
    %select_n3A_145 = arith.select %lt3A_141, %broadcast_in_dim3A_144, %select_n3A_136 : vector<8x1024xi1>, vector<8x1024xf32>
    %slice3A_146 = vector.extract_strided_slice %dot_general3A_7 {offsets = [128, 0], sizes = [8, 1024], strides = [1, 1]} : vector<1024x1024xf32> to vector<8x1024xf32>
    %slice3A_147 = vector.extract_strided_slice %get3A_10 {offsets = [128, 0], sizes = [8, 1], strides = [1, 1]} : vector<1024x1xf32> to vector<8x1xf32>
    %add3A_148 = vector.broadcast %slice3A_147 : vector<8x1xf32> to vector<8x1024xf32>
    %add3A_149 = arith.addf %slice3A_146, %add3A_148 : vector<8x1024xf32>
    %lt3A_150 = arith.cmpf olt, %add3A_149, %select_n3A_142 : vector<8x1024xf32>
    %select_n3A_151 = arith.select %lt3A_150, %add3A_149, %select_n3A_142 : vector<8x1024xi1>, vector<8x1024xf32>
    %jit3A_152 = arith.constant 1.600000e+01 : f32
    %broadcast_in_dim3A_153 = vector.broadcast %jit3A_152 : f32 to vector<8x1024xf32>
    %select_n3A_154 = arith.select %lt3A_150, %broadcast_in_dim3A_153, %select_n3A_145 : vector<8x1024xi1>, vector<8x1024xf32>
    %slice3A_155 = vector.extract_strided_slice %dot_general3A_7 {offsets = [136, 0], sizes = [8, 1024], strides = [1, 1]} : vector<1024x1024xf32> to vector<8x1024xf32>
    %slice3A_156 = vector.extract_strided_slice %get3A_10 {offsets = [136, 0], sizes = [8, 1], strides = [1, 1]} : vector<1024x1xf32> to vector<8x1xf32>
    %add3A_157 = vector.broadcast %slice3A_156 : vector<8x1xf32> to vector<8x1024xf32>
    %add3A_158 = arith.addf %slice3A_155, %add3A_157 : vector<8x1024xf32>
    %lt3A_159 = arith.cmpf olt, %add3A_158, %select_n3A_151 : vector<8x1024xf32>
    %select_n3A_160 = arith.select %lt3A_159, %add3A_158, %select_n3A_151 : vector<8x1024xi1>, vector<8x1024xf32>
    %jit3A_161 = arith.constant 1.700000e+01 : f32
    %broadcast_in_dim3A_162 = vector.broadcast %jit3A_161 : f32 to vector<8x1024xf32>
    %select_n3A_163 = arith.select %lt3A_159, %broadcast_in_dim3A_162, %select_n3A_154 : vector<8x1024xi1>, vector<8x1024xf32>
    %slice3A_164 = vector.extract_strided_slice %dot_general3A_7 {offsets = [144, 0], sizes = [8, 1024], strides = [1, 1]} : vector<1024x1024xf32> to vector<8x1024xf32>
    %slice3A_165 = vector.extract_strided_slice %get3A_10 {offsets = [144, 0], sizes = [8, 1], strides = [1, 1]} : vector<1024x1xf32> to vector<8x1xf32>
    %add3A_166 = vector.broadcast %slice3A_165 : vector<8x1xf32> to vector<8x1024xf32>
    %add3A_167 = arith.addf %slice3A_164, %add3A_166 : vector<8x1024xf32>
    %lt3A_168 = arith.cmpf olt, %add3A_167, %select_n3A_160 : vector<8x1024xf32>
    %select_n3A_169 = arith.select %lt3A_168, %add3A_167, %select_n3A_160 : vector<8x1024xi1>, vector<8x1024xf32>
    %jit3A_170 = arith.constant 1.800000e+01 : f32
    %broadcast_in_dim3A_171 = vector.broadcast %jit3A_170 : f32 to vector<8x1024xf32>
    %select_n3A_172 = arith.select %lt3A_168, %broadcast_in_dim3A_171, %select_n3A_163 : vector<8x1024xi1>, vector<8x1024xf32>
    %slice3A_173 = vector.extract_strided_slice %dot_general3A_7 {offsets = [152, 0], sizes = [8, 1024], strides = [1, 1]} : vector<1024x1024xf32> to vector<8x1024xf32>
    %slice3A_174 = vector.extract_strided_slice %get3A_10 {offsets = [152, 0], sizes = [8, 1], strides = [1, 1]} : vector<1024x1xf32> to vector<8x1xf32>
    %add3A_175 = vector.broadcast %slice3A_174 : vector<8x1xf32> to vector<8x1024xf32>
    %add3A_176 = arith.addf %slice3A_173, %add3A_175 : vector<8x1024xf32>
    %lt3A_177 = arith.cmpf olt, %add3A_176, %select_n3A_169 : vector<8x1024xf32>
    %select_n3A_178 = arith.select %lt3A_177, %add3A_176, %select_n3A_169 : vector<8x1024xi1>, vector<8x1024xf32>
    %jit3A_179 = arith.constant 1.900000e+01 : f32
    %broadcast_in_dim3A_180 = vector.broadcast %jit3A_179 : f32 to vector<8x1024xf32>
    %select_n3A_181 = arith.select %lt3A_177, %broadcast_in_dim3A_180, %select_n3A_172 : vector<8x1024xi1>, vector<8x1024xf32>
    %slice3A_182 = vector.extract_strided_slice %dot_general3A_7 {offsets = [160, 0], sizes = [8, 1024], strides = [1, 1]} : vector<1024x1024xf32> to vector<8x1024xf32>
    %slice3A_183 = vector.extract_strided_slice %get3A_10 {offsets = [160, 0], sizes = [8, 1], strides = [1, 1]} : vector<1024x1xf32> to vector<8x1xf32>
    %add3A_184 = vector.broadcast %slice3A_183 : vector<8x1xf32> to vector<8x1024xf32>
    %add3A_185 = arith.addf %slice3A_182, %add3A_184 : vector<8x1024xf32>
    %lt3A_186 = arith.cmpf olt, %add3A_185, %select_n3A_178 : vector<8x1024xf32>
    %select_n3A_187 = arith.select %lt3A_186, %add3A_185, %select_n3A_178 : vector<8x1024xi1>, vector<8x1024xf32>
    %jit3A_188 = arith.constant 2.000000e+01 : f32
    %broadcast_in_dim3A_189 = vector.broadcast %jit3A_188 : f32 to vector<8x1024xf32>
    %select_n3A_190 = arith.select %lt3A_186, %broadcast_in_dim3A_189, %select_n3A_181 : vector<8x1024xi1>, vector<8x1024xf32>
    %slice3A_191 = vector.extract_strided_slice %dot_general3A_7 {offsets = [168, 0], sizes = [8, 1024], strides = [1, 1]} : vector<1024x1024xf32> to vector<8x1024xf32>
    %slice3A_192 = vector.extract_strided_slice %get3A_10 {offsets = [168, 0], sizes = [8, 1], strides = [1, 1]} : vector<1024x1xf32> to vector<8x1xf32>
    %add3A_193 = vector.broadcast %slice3A_192 : vector<8x1xf32> to vector<8x1024xf32>
    %add3A_194 = arith.addf %slice3A_191, %add3A_193 : vector<8x1024xf32>
    %lt3A_195 = arith.cmpf olt, %add3A_194, %select_n3A_187 : vector<8x1024xf32>
    %select_n3A_196 = arith.select %lt3A_195, %add3A_194, %select_n3A_187 : vector<8x1024xi1>, vector<8x1024xf32>
    %jit3A_197 = arith.constant 2.100000e+01 : f32
    %broadcast_in_dim3A_198 = vector.broadcast %jit3A_197 : f32 to vector<8x1024xf32>
    %select_n3A_199 = arith.select %lt3A_195, %broadcast_in_dim3A_198, %select_n3A_190 : vector<8x1024xi1>, vector<8x1024xf32>
    %slice3A_200 = vector.extract_strided_slice %dot_general3A_7 {offsets = [176, 0], sizes = [8, 1024], strides = [1, 1]} : vector<1024x1024xf32> to vector<8x1024xf32>
    %slice3A_201 = vector.extract_strided_slice %get3A_10 {offsets = [176, 0], sizes = [8, 1], strides = [1, 1]} : vector<1024x1xf32> to vector<8x1xf32>
    %add3A_202 = vector.broadcast %slice3A_201 : vector<8x1xf32> to vector<8x1024xf32>
    %add3A_203 = arith.addf %slice3A_200, %add3A_202 : vector<8x1024xf32>
    %lt3A_204 = arith.cmpf olt, %add3A_203, %select_n3A_196 : vector<8x1024xf32>
    %select_n3A_205 = arith.select %lt3A_204, %add3A_203, %select_n3A_196 : vector<8x1024xi1>, vector<8x1024xf32>
    %jit3A_206 = arith.constant 2.200000e+01 : f32
    %broadcast_in_dim3A_207 = vector.broadcast %jit3A_206 : f32 to vector<8x1024xf32>
    %select_n3A_208 = arith.select %lt3A_204, %broadcast_in_dim3A_207, %select_n3A_199 : vector<8x1024xi1>, vector<8x1024xf32>
    %slice3A_209 = vector.extract_strided_slice %dot_general3A_7 {offsets = [184, 0], sizes = [8, 1024], strides = [1, 1]} : vector<1024x1024xf32> to vector<8x1024xf32>
    %slice3A_210 = vector.extract_strided_slice %get3A_10 {offsets = [184, 0], sizes = [8, 1], strides = [1, 1]} : vector<1024x1xf32> to vector<8x1xf32>
    %add3A_211 = vector.broadcast %slice3A_210 : vector<8x1xf32> to vector<8x1024xf32>
    %add3A_212 = arith.addf %slice3A_209, %add3A_211 : vector<8x1024xf32>
    %lt3A_213 = arith.cmpf olt, %add3A_212, %select_n3A_205 : vector<8x1024xf32>
    %select_n3A_214 = arith.select %lt3A_213, %add3A_212, %select_n3A_205 : vector<8x1024xi1>, vector<8x1024xf32>
    %jit3A_215 = arith.constant 2.300000e+01 : f32
    %broadcast_in_dim3A_216 = vector.broadcast %jit3A_215 : f32 to vector<8x1024xf32>
    %select_n3A_217 = arith.select %lt3A_213, %broadcast_in_dim3A_216, %select_n3A_208 : vector<8x1024xi1>, vector<8x1024xf32>
    %slice3A_218 = vector.extract_strided_slice %dot_general3A_7 {offsets = [192, 0], sizes = [8, 1024], strides = [1, 1]} : vector<1024x1024xf32> to vector<8x1024xf32>
    %slice3A_219 = vector.extract_strided_slice %get3A_10 {offsets = [192, 0], sizes = [8, 1], strides = [1, 1]} : vector<1024x1xf32> to vector<8x1xf32>
    %add3A_220 = vector.broadcast %slice3A_219 : vector<8x1xf32> to vector<8x1024xf32>
    %add3A_221 = arith.addf %slice3A_218, %add3A_220 : vector<8x1024xf32>
    %lt3A_222 = arith.cmpf olt, %add3A_221, %select_n3A_214 : vector<8x1024xf32>
    %select_n3A_223 = arith.select %lt3A_222, %add3A_221, %select_n3A_214 : vector<8x1024xi1>, vector<8x1024xf32>
    %jit3A_224 = arith.constant 2.400000e+01 : f32
    %broadcast_in_dim3A_225 = vector.broadcast %jit3A_224 : f32 to vector<8x1024xf32>
    %select_n3A_226 = arith.select %lt3A_222, %broadcast_in_dim3A_225, %select_n3A_217 : vector<8x1024xi1>, vector<8x1024xf32>
    %slice3A_227 = vector.extract_strided_slice %dot_general3A_7 {offsets = [200, 0], sizes = [8, 1024], strides = [1, 1]} : vector<1024x1024xf32> to vector<8x1024xf32>
    %slice3A_228 = vector.extract_strided_slice %get3A_10 {offsets = [200, 0], sizes = [8, 1], strides = [1, 1]} : vector<1024x1xf32> to vector<8x1xf32>
    %add3A_229 = vector.broadcast %slice3A_228 : vector<8x1xf32> to vector<8x1024xf32>
    %add3A_230 = arith.addf %slice3A_227, %add3A_229 : vector<8x1024xf32>
    %lt3A_231 = arith.cmpf olt, %add3A_230, %select_n3A_223 : vector<8x1024xf32>
    %select_n3A_232 = arith.select %lt3A_231, %add3A_230, %select_n3A_223 : vector<8x1024xi1>, vector<8x1024xf32>
    %jit3A_233 = arith.constant 2.500000e+01 : f32
    %broadcast_in_dim3A_234 = vector.broadcast %jit3A_233 : f32 to vector<8x1024xf32>
    %select_n3A_235 = arith.select %lt3A_231, %broadcast_in_dim3A_234, %select_n3A_226 : vector<8x1024xi1>, vector<8x1024xf32>
    %slice3A_236 = vector.extract_strided_slice %dot_general3A_7 {offsets = [208, 0], sizes = [8, 1024], strides = [1, 1]} : vector<1024x1024xf32> to vector<8x1024xf32>
    %slice3A_237 = vector.extract_strided_slice %get3A_10 {offsets = [208, 0], sizes = [8, 1], strides = [1, 1]} : vector<1024x1xf32> to vector<8x1xf32>
    %add3A_238 = vector.broadcast %slice3A_237 : vector<8x1xf32> to vector<8x1024xf32>
    %add3A_239 = arith.addf %slice3A_236, %add3A_238 : vector<8x1024xf32>
    %lt3A_240 = arith.cmpf olt, %add3A_239, %select_n3A_232 : vector<8x1024xf32>
    %select_n3A_241 = arith.select %lt3A_240, %add3A_239, %select_n3A_232 : vector<8x1024xi1>, vector<8x1024xf32>
    %jit3A_242 = arith.constant 2.600000e+01 : f32
    %broadcast_in_dim3A_243 = vector.broadcast %jit3A_242 : f32 to vector<8x1024xf32>
    %select_n3A_244 = arith.select %lt3A_240, %broadcast_in_dim3A_243, %select_n3A_235 : vector<8x1024xi1>, vector<8x1024xf32>
    %slice3A_245 = vector.extract_strided_slice %dot_general3A_7 {offsets = [216, 0], sizes = [8, 1024], strides = [1, 1]} : vector<1024x1024xf32> to vector<8x1024xf32>
    %slice3A_246 = vector.extract_strided_slice %get3A_10 {offsets = [216, 0], sizes = [8, 1], strides = [1, 1]} : vector<1024x1xf32> to vector<8x1xf32>
    %add3A_247 = vector.broadcast %slice3A_246 : vector<8x1xf32> to vector<8x1024xf32>
    %add3A_248 = arith.addf %slice3A_245, %add3A_247 : vector<8x1024xf32>
    %lt3A_249 = arith.cmpf olt, %add3A_248, %select_n3A_241 : vector<8x1024xf32>
    %select_n3A_250 = arith.select %lt3A_249, %add3A_248, %select_n3A_241 : vector<8x1024xi1>, vector<8x1024xf32>
    %jit3A_251 = arith.constant 2.700000e+01 : f32
    %broadcast_in_dim3A_252 = vector.broadcast %jit3A_251 : f32 to vector<8x1024xf32>
    %select_n3A_253 = arith.select %lt3A_249, %broadcast_in_dim3A_252, %select_n3A_244 : vector<8x1024xi1>, vector<8x1024xf32>
    %slice3A_254 = vector.extract_strided_slice %dot_general3A_7 {offsets = [224, 0], sizes = [8, 1024], strides = [1, 1]} : vector<1024x1024xf32> to vector<8x1024xf32>
    %slice3A_255 = vector.extract_strided_slice %get3A_10 {offsets = [224, 0], sizes = [8, 1], strides = [1, 1]} : vector<1024x1xf32> to vector<8x1xf32>
    %add3A_256 = vector.broadcast %slice3A_255 : vector<8x1xf32> to vector<8x1024xf32>
    %add3A_257 = arith.addf %slice3A_254, %add3A_256 : vector<8x1024xf32>
    %lt3A_258 = arith.cmpf olt, %add3A_257, %select_n3A_250 : vector<8x1024xf32>
    %select_n3A_259 = arith.select %lt3A_258, %add3A_257, %select_n3A_250 : vector<8x1024xi1>, vector<8x1024xf32>
    %jit3A_260 = arith.constant 2.800000e+01 : f32
    %broadcast_in_dim3A_261 = vector.broadcast %jit3A_260 : f32 to vector<8x1024xf32>
    %select_n3A_262 = arith.select %lt3A_258, %broadcast_in_dim3A_261, %select_n3A_253 : vector<8x1024xi1>, vector<8x1024xf32>
    %slice3A_263 = vector.extract_strided_slice %dot_general3A_7 {offsets = [232, 0], sizes = [8, 1024], strides = [1, 1]} : vector<1024x1024xf32> to vector<8x1024xf32>
    %slice3A_264 = vector.extract_strided_slice %get3A_10 {offsets = [232, 0], sizes = [8, 1], strides = [1, 1]} : vector<1024x1xf32> to vector<8x1xf32>
    %add3A_265 = vector.broadcast %slice3A_264 : vector<8x1xf32> to vector<8x1024xf32>
    %add3A_266 = arith.addf %slice3A_263, %add3A_265 : vector<8x1024xf32>
    %lt3A_267 = arith.cmpf olt, %add3A_266, %select_n3A_259 : vector<8x1024xf32>
    %select_n3A_268 = arith.select %lt3A_267, %add3A_266, %select_n3A_259 : vector<8x1024xi1>, vector<8x1024xf32>
    %jit3A_269 = arith.constant 2.900000e+01 : f32
    %broadcast_in_dim3A_270 = vector.broadcast %jit3A_269 : f32 to vector<8x1024xf32>
    %select_n3A_271 = arith.select %lt3A_267, %broadcast_in_dim3A_270, %select_n3A_262 : vector<8x1024xi1>, vector<8x1024xf32>
    %slice3A_272 = vector.extract_strided_slice %dot_general3A_7 {offsets = [240, 0], sizes = [8, 1024], strides = [1, 1]} : vector<1024x1024xf32> to vector<8x1024xf32>
    %slice3A_273 = vector.extract_strided_slice %get3A_10 {offsets = [240, 0], sizes = [8, 1], strides = [1, 1]} : vector<1024x1xf32> to vector<8x1xf32>
    %add3A_274 = vector.broadcast %slice3A_273 : vector<8x1xf32> to vector<8x1024xf32>
    %add3A_275 = arith.addf %slice3A_272, %add3A_274 : vector<8x1024xf32>
    %lt3A_276 = arith.cmpf olt, %add3A_275, %select_n3A_268 : vector<8x1024xf32>
    %select_n3A_277 = arith.select %lt3A_276, %add3A_275, %select_n3A_268 : vector<8x1024xi1>, vector<8x1024xf32>
    %jit3A_278 = arith.constant 3.000000e+01 : f32
    %broadcast_in_dim3A_279 = vector.broadcast %jit3A_278 : f32 to vector<8x1024xf32>
    %select_n3A_280 = arith.select %lt3A_276, %broadcast_in_dim3A_279, %select_n3A_271 : vector<8x1024xi1>, vector<8x1024xf32>
    %slice3A_281 = vector.extract_strided_slice %dot_general3A_7 {offsets = [248, 0], sizes = [8, 1024], strides = [1, 1]} : vector<1024x1024xf32> to vector<8x1024xf32>
    %slice3A_282 = vector.extract_strided_slice %get3A_10 {offsets = [248, 0], sizes = [8, 1], strides = [1, 1]} : vector<1024x1xf32> to vector<8x1xf32>
    %add3A_283 = vector.broadcast %slice3A_282 : vector<8x1xf32> to vector<8x1024xf32>
    %add3A_284 = arith.addf %slice3A_281, %add3A_283 : vector<8x1024xf32>
    %lt3A_285 = arith.cmpf olt, %add3A_284, %select_n3A_277 : vector<8x1024xf32>
    %select_n3A_286 = arith.select %lt3A_285, %add3A_284, %select_n3A_277 : vector<8x1024xi1>, vector<8x1024xf32>
    %jit3A_287 = arith.constant 3.100000e+01 : f32
    %broadcast_in_dim3A_288 = vector.broadcast %jit3A_287 : f32 to vector<8x1024xf32>
    %select_n3A_289 = arith.select %lt3A_285, %broadcast_in_dim3A_288, %select_n3A_280 : vector<8x1024xi1>, vector<8x1024xf32>
    %slice3A_290 = vector.extract_strided_slice %dot_general3A_7 {offsets = [256, 0], sizes = [8, 1024], strides = [1, 1]} : vector<1024x1024xf32> to vector<8x1024xf32>
    %slice3A_291 = vector.extract_strided_slice %get3A_10 {offsets = [256, 0], sizes = [8, 1], strides = [1, 1]} : vector<1024x1xf32> to vector<8x1xf32>
    %add3A_292 = vector.broadcast %slice3A_291 : vector<8x1xf32> to vector<8x1024xf32>
    %add3A_293 = arith.addf %slice3A_290, %add3A_292 : vector<8x1024xf32>
    %lt3A_294 = arith.cmpf olt, %add3A_293, %select_n3A_286 : vector<8x1024xf32>
    %select_n3A_295 = arith.select %lt3A_294, %add3A_293, %select_n3A_286 : vector<8x1024xi1>, vector<8x1024xf32>
    %jit3A_296 = arith.constant 3.200000e+01 : f32
    %broadcast_in_dim3A_297 = vector.broadcast %jit3A_296 : f32 to vector<8x1024xf32>
    %select_n3A_298 = arith.select %lt3A_294, %broadcast_in_dim3A_297, %select_n3A_289 : vector<8x1024xi1>, vector<8x1024xf32>
    %slice3A_299 = vector.extract_strided_slice %dot_general3A_7 {offsets = [264, 0], sizes = [8, 1024], strides = [1, 1]} : vector<1024x1024xf32> to vector<8x1024xf32>
    %slice3A_300 = vector.extract_strided_slice %get3A_10 {offsets = [264, 0], sizes = [8, 1], strides = [1, 1]} : vector<1024x1xf32> to vector<8x1xf32>
    %add3A_301 = vector.broadcast %slice3A_300 : vector<8x1xf32> to vector<8x1024xf32>
    %add3A_302 = arith.addf %slice3A_299, %add3A_301 : vector<8x1024xf32>
    %lt3A_303 = arith.cmpf olt, %add3A_302, %select_n3A_295 : vector<8x1024xf32>
    %select_n3A_304 = arith.select %lt3A_303, %add3A_302, %select_n3A_295 : vector<8x1024xi1>, vector<8x1024xf32>
    %jit3A_305 = arith.constant 3.300000e+01 : f32
    %broadcast_in_dim3A_306 = vector.broadcast %jit3A_305 : f32 to vector<8x1024xf32>
    %select_n3A_307 = arith.select %lt3A_303, %broadcast_in_dim3A_306, %select_n3A_298 : vector<8x1024xi1>, vector<8x1024xf32>
    %slice3A_308 = vector.extract_strided_slice %dot_general3A_7 {offsets = [272, 0], sizes = [8, 1024], strides = [1, 1]} : vector<1024x1024xf32> to vector<8x1024xf32>
    %slice3A_309 = vector.extract_strided_slice %get3A_10 {offsets = [272, 0], sizes = [8, 1], strides = [1, 1]} : vector<1024x1xf32> to vector<8x1xf32>
    %add3A_310 = vector.broadcast %slice3A_309 : vector<8x1xf32> to vector<8x1024xf32>
    %add3A_311 = arith.addf %slice3A_308, %add3A_310 : vector<8x1024xf32>
    %lt3A_312 = arith.cmpf olt, %add3A_311, %select_n3A_304 : vector<8x1024xf32>
    %select_n3A_313 = arith.select %lt3A_312, %add3A_311, %select_n3A_304 : vector<8x1024xi1>, vector<8x1024xf32>
    %jit3A_314 = arith.constant 3.400000e+01 : f32
    %broadcast_in_dim3A_315 = vector.broadcast %jit3A_314 : f32 to vector<8x1024xf32>
    %select_n3A_316 = arith.select %lt3A_312, %broadcast_in_dim3A_315, %select_n3A_307 : vector<8x1024xi1>, vector<8x1024xf32>
    %slice3A_317 = vector.extract_strided_slice %dot_general3A_7 {offsets = [280, 0], sizes = [8, 1024], strides = [1, 1]} : vector<1024x1024xf32> to vector<8x1024xf32>
    %slice3A_318 = vector.extract_strided_slice %get3A_10 {offsets = [280, 0], sizes = [8, 1], strides = [1, 1]} : vector<1024x1xf32> to vector<8x1xf32>
    %add3A_319 = vector.broadcast %slice3A_318 : vector<8x1xf32> to vector<8x1024xf32>
    %add3A_320 = arith.addf %slice3A_317, %add3A_319 : vector<8x1024xf32>
    %lt3A_321 = arith.cmpf olt, %add3A_320, %select_n3A_313 : vector<8x1024xf32>
    %select_n3A_322 = arith.select %lt3A_321, %add3A_320, %select_n3A_313 : vector<8x1024xi1>, vector<8x1024xf32>
    %jit3A_323 = arith.constant 3.500000e+01 : f32
    %broadcast_in_dim3A_324 = vector.broadcast %jit3A_323 : f32 to vector<8x1024xf32>
    %select_n3A_325 = arith.select %lt3A_321, %broadcast_in_dim3A_324, %select_n3A_316 : vector<8x1024xi1>, vector<8x1024xf32>
    %slice3A_326 = vector.extract_strided_slice %dot_general3A_7 {offsets = [288, 0], sizes = [8, 1024], strides = [1, 1]} : vector<1024x1024xf32> to vector<8x1024xf32>
    %slice3A_327 = vector.extract_strided_slice %get3A_10 {offsets = [288, 0], sizes = [8, 1], strides = [1, 1]} : vector<1024x1xf32> to vector<8x1xf32>
    %add3A_328 = vector.broadcast %slice3A_327 : vector<8x1xf32> to vector<8x1024xf32>
    %add3A_329 = arith.addf %slice3A_326, %add3A_328 : vector<8x1024xf32>
    %lt3A_330 = arith.cmpf olt, %add3A_329, %select_n3A_322 : vector<8x1024xf32>
    %select_n3A_331 = arith.select %lt3A_330, %add3A_329, %select_n3A_322 : vector<8x1024xi1>, vector<8x1024xf32>
    %jit3A_332 = arith.constant 3.600000e+01 : f32
    %broadcast_in_dim3A_333 = vector.broadcast %jit3A_332 : f32 to vector<8x1024xf32>
    %select_n3A_334 = arith.select %lt3A_330, %broadcast_in_dim3A_333, %select_n3A_325 : vector<8x1024xi1>, vector<8x1024xf32>
    %slice3A_335 = vector.extract_strided_slice %dot_general3A_7 {offsets = [296, 0], sizes = [8, 1024], strides = [1, 1]} : vector<1024x1024xf32> to vector<8x1024xf32>
    %slice3A_336 = vector.extract_strided_slice %get3A_10 {offsets = [296, 0], sizes = [8, 1], strides = [1, 1]} : vector<1024x1xf32> to vector<8x1xf32>
    %add3A_337 = vector.broadcast %slice3A_336 : vector<8x1xf32> to vector<8x1024xf32>
    %add3A_338 = arith.addf %slice3A_335, %add3A_337 : vector<8x1024xf32>
    %lt3A_339 = arith.cmpf olt, %add3A_338, %select_n3A_331 : vector<8x1024xf32>
    %select_n3A_340 = arith.select %lt3A_339, %add3A_338, %select_n3A_331 : vector<8x1024xi1>, vector<8x1024xf32>
    %jit3A_341 = arith.constant 3.700000e+01 : f32
    %broadcast_in_dim3A_342 = vector.broadcast %jit3A_341 : f32 to vector<8x1024xf32>
    %select_n3A_343 = arith.select %lt3A_339, %broadcast_in_dim3A_342, %select_n3A_334 : vector<8x1024xi1>, vector<8x1024xf32>
    %slice3A_344 = vector.extract_strided_slice %dot_general3A_7 {offsets = [304, 0], sizes = [8, 1024], strides = [1, 1]} : vector<1024x1024xf32> to vector<8x1024xf32>
    %slice3A_345 = vector.extract_strided_slice %get3A_10 {offsets = [304, 0], sizes = [8, 1], strides = [1, 1]} : vector<1024x1xf32> to vector<8x1xf32>
    %add3A_346 = vector.broadcast %slice3A_345 : vector<8x1xf32> to vector<8x1024xf32>
    %add3A_347 = arith.addf %slice3A_344, %add3A_346 : vector<8x1024xf32>
    %lt3A_348 = arith.cmpf olt, %add3A_347, %select_n3A_340 : vector<8x1024xf32>
    %select_n3A_349 = arith.select %lt3A_348, %add3A_347, %select_n3A_340 : vector<8x1024xi1>, vector<8x1024xf32>
    %jit3A_350 = arith.constant 3.800000e+01 : f32
    %broadcast_in_dim3A_351 = vector.broadcast %jit3A_350 : f32 to vector<8x1024xf32>
    %select_n3A_352 = arith.select %lt3A_348, %broadcast_in_dim3A_351, %select_n3A_343 : vector<8x1024xi1>, vector<8x1024xf32>
    %slice3A_353 = vector.extract_strided_slice %dot_general3A_7 {offsets = [312, 0], sizes = [8, 1024], strides = [1, 1]} : vector<1024x1024xf32> to vector<8x1024xf32>
    %slice3A_354 = vector.extract_strided_slice %get3A_10 {offsets = [312, 0], sizes = [8, 1], strides = [1, 1]} : vector<1024x1xf32> to vector<8x1xf32>
    %add3A_355 = vector.broadcast %slice3A_354 : vector<8x1xf32> to vector<8x1024xf32>
    %add3A_356 = arith.addf %slice3A_353, %add3A_355 : vector<8x1024xf32>
    %lt3A_357 = arith.cmpf olt, %add3A_356, %select_n3A_349 : vector<8x1024xf32>
    %select_n3A_358 = arith.select %lt3A_357, %add3A_356, %select_n3A_349 : vector<8x1024xi1>, vector<8x1024xf32>
    %jit3A_359 = arith.constant 3.900000e+01 : f32
    %broadcast_in_dim3A_360 = vector.broadcast %jit3A_359 : f32 to vector<8x1024xf32>
    %select_n3A_361 = arith.select %lt3A_357, %broadcast_in_dim3A_360, %select_n3A_352 : vector<8x1024xi1>, vector<8x1024xf32>
    %slice3A_362 = vector.extract_strided_slice %dot_general3A_7 {offsets = [320, 0], sizes = [8, 1024], strides = [1, 1]} : vector<1024x1024xf32> to vector<8x1024xf32>
    %slice3A_363 = vector.extract_strided_slice %get3A_10 {offsets = [320, 0], sizes = [8, 1], strides = [1, 1]} : vector<1024x1xf32> to vector<8x1xf32>
    %add3A_364 = vector.broadcast %slice3A_363 : vector<8x1xf32> to vector<8x1024xf32>
    %add3A_365 = arith.addf %slice3A_362, %add3A_364 : vector<8x1024xf32>
    %lt3A_366 = arith.cmpf olt, %add3A_365, %select_n3A_358 : vector<8x1024xf32>
    %select_n3A_367 = arith.select %lt3A_366, %add3A_365, %select_n3A_358 : vector<8x1024xi1>, vector<8x1024xf32>
    %jit3A_368 = arith.constant 4.000000e+01 : f32
    %broadcast_in_dim3A_369 = vector.broadcast %jit3A_368 : f32 to vector<8x1024xf32>
    %select_n3A_370 = arith.select %lt3A_366, %broadcast_in_dim3A_369, %select_n3A_361 : vector<8x1024xi1>, vector<8x1024xf32>
    %slice3A_371 = vector.extract_strided_slice %dot_general3A_7 {offsets = [328, 0], sizes = [8, 1024], strides = [1, 1]} : vector<1024x1024xf32> to vector<8x1024xf32>
    %slice3A_372 = vector.extract_strided_slice %get3A_10 {offsets = [328, 0], sizes = [8, 1], strides = [1, 1]} : vector<1024x1xf32> to vector<8x1xf32>
    %add3A_373 = vector.broadcast %slice3A_372 : vector<8x1xf32> to vector<8x1024xf32>
    %add3A_374 = arith.addf %slice3A_371, %add3A_373 : vector<8x1024xf32>
    %lt3A_375 = arith.cmpf olt, %add3A_374, %select_n3A_367 : vector<8x1024xf32>
    %select_n3A_376 = arith.select %lt3A_375, %add3A_374, %select_n3A_367 : vector<8x1024xi1>, vector<8x1024xf32>
    %jit3A_377 = arith.constant 4.100000e+01 : f32
    %broadcast_in_dim3A_378 = vector.broadcast %jit3A_377 : f32 to vector<8x1024xf32>
    %select_n3A_379 = arith.select %lt3A_375, %broadcast_in_dim3A_378, %select_n3A_370 : vector<8x1024xi1>, vector<8x1024xf32>
    %slice3A_380 = vector.extract_strided_slice %dot_general3A_7 {offsets = [336, 0], sizes = [8, 1024], strides = [1, 1]} : vector<1024x1024xf32> to vector<8x1024xf32>
    %slice3A_381 = vector.extract_strided_slice %get3A_10 {offsets = [336, 0], sizes = [8, 1], strides = [1, 1]} : vector<1024x1xf32> to vector<8x1xf32>
    %add3A_382 = vector.broadcast %slice3A_381 : vector<8x1xf32> to vector<8x1024xf32>
    %add3A_383 = arith.addf %slice3A_380, %add3A_382 : vector<8x1024xf32>
    %lt3A_384 = arith.cmpf olt, %add3A_383, %select_n3A_376 : vector<8x1024xf32>
    %select_n3A_385 = arith.select %lt3A_384, %add3A_383, %select_n3A_376 : vector<8x1024xi1>, vector<8x1024xf32>
    %jit3A_386 = arith.constant 4.200000e+01 : f32
    %broadcast_in_dim3A_387 = vector.broadcast %jit3A_386 : f32 to vector<8x1024xf32>
    %select_n3A_388 = arith.select %lt3A_384, %broadcast_in_dim3A_387, %select_n3A_379 : vector<8x1024xi1>, vector<8x1024xf32>
    %slice3A_389 = vector.extract_strided_slice %dot_general3A_7 {offsets = [344, 0], sizes = [8, 1024], strides = [1, 1]} : vector<1024x1024xf32> to vector<8x1024xf32>
    %slice3A_390 = vector.extract_strided_slice %get3A_10 {offsets = [344, 0], sizes = [8, 1], strides = [1, 1]} : vector<1024x1xf32> to vector<8x1xf32>
    %add3A_391 = vector.broadcast %slice3A_390 : vector<8x1xf32> to vector<8x1024xf32>
    %add3A_392 = arith.addf %slice3A_389, %add3A_391 : vector<8x1024xf32>
    %lt3A_393 = arith.cmpf olt, %add3A_392, %select_n3A_385 : vector<8x1024xf32>
    %select_n3A_394 = arith.select %lt3A_393, %add3A_392, %select_n3A_385 : vector<8x1024xi1>, vector<8x1024xf32>
    %jit3A_395 = arith.constant 4.300000e+01 : f32
    %broadcast_in_dim3A_396 = vector.broadcast %jit3A_395 : f32 to vector<8x1024xf32>
    %select_n3A_397 = arith.select %lt3A_393, %broadcast_in_dim3A_396, %select_n3A_388 : vector<8x1024xi1>, vector<8x1024xf32>
    %slice3A_398 = vector.extract_strided_slice %dot_general3A_7 {offsets = [352, 0], sizes = [8, 1024], strides = [1, 1]} : vector<1024x1024xf32> to vector<8x1024xf32>
    %slice3A_399 = vector.extract_strided_slice %get3A_10 {offsets = [352, 0], sizes = [8, 1], strides = [1, 1]} : vector<1024x1xf32> to vector<8x1xf32>
    %add3A_400 = vector.broadcast %slice3A_399 : vector<8x1xf32> to vector<8x1024xf32>
    %add3A_401 = arith.addf %slice3A_398, %add3A_400 : vector<8x1024xf32>
    %lt3A_402 = arith.cmpf olt, %add3A_401, %select_n3A_394 : vector<8x1024xf32>
    %select_n3A_403 = arith.select %lt3A_402, %add3A_401, %select_n3A_394 : vector<8x1024xi1>, vector<8x1024xf32>
    %jit3A_404 = arith.constant 4.400000e+01 : f32
    %broadcast_in_dim3A_405 = vector.broadcast %jit3A_404 : f32 to vector<8x1024xf32>
    %select_n3A_406 = arith.select %lt3A_402, %broadcast_in_dim3A_405, %select_n3A_397 : vector<8x1024xi1>, vector<8x1024xf32>
    %slice3A_407 = vector.extract_strided_slice %dot_general3A_7 {offsets = [360, 0], sizes = [8, 1024], strides = [1, 1]} : vector<1024x1024xf32> to vector<8x1024xf32>
    %slice3A_408 = vector.extract_strided_slice %get3A_10 {offsets = [360, 0], sizes = [8, 1], strides = [1, 1]} : vector<1024x1xf32> to vector<8x1xf32>
    %add3A_409 = vector.broadcast %slice3A_408 : vector<8x1xf32> to vector<8x1024xf32>
    %add3A_410 = arith.addf %slice3A_407, %add3A_409 : vector<8x1024xf32>
    %lt3A_411 = arith.cmpf olt, %add3A_410, %select_n3A_403 : vector<8x1024xf32>
    %select_n3A_412 = arith.select %lt3A_411, %add3A_410, %select_n3A_403 : vector<8x1024xi1>, vector<8x1024xf32>
    %jit3A_413 = arith.constant 4.500000e+01 : f32
    %broadcast_in_dim3A_414 = vector.broadcast %jit3A_413 : f32 to vector<8x1024xf32>
    %select_n3A_415 = arith.select %lt3A_411, %broadcast_in_dim3A_414, %select_n3A_406 : vector<8x1024xi1>, vector<8x1024xf32>
    %slice3A_416 = vector.extract_strided_slice %dot_general3A_7 {offsets = [368, 0], sizes = [8, 1024], strides = [1, 1]} : vector<1024x1024xf32> to vector<8x1024xf32>
    %slice3A_417 = vector.extract_strided_slice %get3A_10 {offsets = [368, 0], sizes = [8, 1], strides = [1, 1]} : vector<1024x1xf32> to vector<8x1xf32>
    %add3A_418 = vector.broadcast %slice3A_417 : vector<8x1xf32> to vector<8x1024xf32>
    %add3A_419 = arith.addf %slice3A_416, %add3A_418 : vector<8x1024xf32>
    %lt3A_420 = arith.cmpf olt, %add3A_419, %select_n3A_412 : vector<8x1024xf32>
    %select_n3A_421 = arith.select %lt3A_420, %add3A_419, %select_n3A_412 : vector<8x1024xi1>, vector<8x1024xf32>
    %jit3A_422 = arith.constant 4.600000e+01 : f32
    %broadcast_in_dim3A_423 = vector.broadcast %jit3A_422 : f32 to vector<8x1024xf32>
    %select_n3A_424 = arith.select %lt3A_420, %broadcast_in_dim3A_423, %select_n3A_415 : vector<8x1024xi1>, vector<8x1024xf32>
    %slice3A_425 = vector.extract_strided_slice %dot_general3A_7 {offsets = [376, 0], sizes = [8, 1024], strides = [1, 1]} : vector<1024x1024xf32> to vector<8x1024xf32>
    %slice3A_426 = vector.extract_strided_slice %get3A_10 {offsets = [376, 0], sizes = [8, 1], strides = [1, 1]} : vector<1024x1xf32> to vector<8x1xf32>
    %add3A_427 = vector.broadcast %slice3A_426 : vector<8x1xf32> to vector<8x1024xf32>
    %add3A_428 = arith.addf %slice3A_425, %add3A_427 : vector<8x1024xf32>
    %lt3A_429 = arith.cmpf olt, %add3A_428, %select_n3A_421 : vector<8x1024xf32>
    %select_n3A_430 = arith.select %lt3A_429, %add3A_428, %select_n3A_421 : vector<8x1024xi1>, vector<8x1024xf32>
    %jit3A_431 = arith.constant 4.700000e+01 : f32
    %broadcast_in_dim3A_432 = vector.broadcast %jit3A_431 : f32 to vector<8x1024xf32>
    %select_n3A_433 = arith.select %lt3A_429, %broadcast_in_dim3A_432, %select_n3A_424 : vector<8x1024xi1>, vector<8x1024xf32>
    %slice3A_434 = vector.extract_strided_slice %dot_general3A_7 {offsets = [384, 0], sizes = [8, 1024], strides = [1, 1]} : vector<1024x1024xf32> to vector<8x1024xf32>
    %slice3A_435 = vector.extract_strided_slice %get3A_10 {offsets = [384, 0], sizes = [8, 1], strides = [1, 1]} : vector<1024x1xf32> to vector<8x1xf32>
    %add3A_436 = vector.broadcast %slice3A_435 : vector<8x1xf32> to vector<8x1024xf32>
    %add3A_437 = arith.addf %slice3A_434, %add3A_436 : vector<8x1024xf32>
    %lt3A_438 = arith.cmpf olt, %add3A_437, %select_n3A_430 : vector<8x1024xf32>
    %select_n3A_439 = arith.select %lt3A_438, %add3A_437, %select_n3A_430 : vector<8x1024xi1>, vector<8x1024xf32>
    %jit3A_440 = arith.constant 4.800000e+01 : f32
    %broadcast_in_dim3A_441 = vector.broadcast %jit3A_440 : f32 to vector<8x1024xf32>
    %select_n3A_442 = arith.select %lt3A_438, %broadcast_in_dim3A_441, %select_n3A_433 : vector<8x1024xi1>, vector<8x1024xf32>
    %slice3A_443 = vector.extract_strided_slice %dot_general3A_7 {offsets = [392, 0], sizes = [8, 1024], strides = [1, 1]} : vector<1024x1024xf32> to vector<8x1024xf32>
    %slice3A_444 = vector.extract_strided_slice %get3A_10 {offsets = [392, 0], sizes = [8, 1], strides = [1, 1]} : vector<1024x1xf32> to vector<8x1xf32>
    %add3A_445 = vector.broadcast %slice3A_444 : vector<8x1xf32> to vector<8x1024xf32>
    %add3A_446 = arith.addf %slice3A_443, %add3A_445 : vector<8x1024xf32>
    %lt3A_447 = arith.cmpf olt, %add3A_446, %select_n3A_439 : vector<8x1024xf32>
    %select_n3A_448 = arith.select %lt3A_447, %add3A_446, %select_n3A_439 : vector<8x1024xi1>, vector<8x1024xf32>
    %jit3A_449 = arith.constant 4.900000e+01 : f32
    %broadcast_in_dim3A_450 = vector.broadcast %jit3A_449 : f32 to vector<8x1024xf32>
    %select_n3A_451 = arith.select %lt3A_447, %broadcast_in_dim3A_450, %select_n3A_442 : vector<8x1024xi1>, vector<8x1024xf32>
    %slice3A_452 = vector.extract_strided_slice %dot_general3A_7 {offsets = [400, 0], sizes = [8, 1024], strides = [1, 1]} : vector<1024x1024xf32> to vector<8x1024xf32>
    %slice3A_453 = vector.extract_strided_slice %get3A_10 {offsets = [400, 0], sizes = [8, 1], strides = [1, 1]} : vector<1024x1xf32> to vector<8x1xf32>
    %add3A_454 = vector.broadcast %slice3A_453 : vector<8x1xf32> to vector<8x1024xf32>
    %add3A_455 = arith.addf %slice3A_452, %add3A_454 : vector<8x1024xf32>
    %lt3A_456 = arith.cmpf olt, %add3A_455, %select_n3A_448 : vector<8x1024xf32>
    %select_n3A_457 = arith.select %lt3A_456, %add3A_455, %select_n3A_448 : vector<8x1024xi1>, vector<8x1024xf32>
    %jit3A_458 = arith.constant 5.000000e+01 : f32
    %broadcast_in_dim3A_459 = vector.broadcast %jit3A_458 : f32 to vector<8x1024xf32>
    %select_n3A_460 = arith.select %lt3A_456, %broadcast_in_dim3A_459, %select_n3A_451 : vector<8x1024xi1>, vector<8x1024xf32>
    %slice3A_461 = vector.extract_strided_slice %dot_general3A_7 {offsets = [408, 0], sizes = [8, 1024], strides = [1, 1]} : vector<1024x1024xf32> to vector<8x1024xf32>
    %slice3A_462 = vector.extract_strided_slice %get3A_10 {offsets = [408, 0], sizes = [8, 1], strides = [1, 1]} : vector<1024x1xf32> to vector<8x1xf32>
    %add3A_463 = vector.broadcast %slice3A_462 : vector<8x1xf32> to vector<8x1024xf32>
    %add3A_464 = arith.addf %slice3A_461, %add3A_463 : vector<8x1024xf32>
    %lt3A_465 = arith.cmpf olt, %add3A_464, %select_n3A_457 : vector<8x1024xf32>
    %select_n3A_466 = arith.select %lt3A_465, %add3A_464, %select_n3A_457 : vector<8x1024xi1>, vector<8x1024xf32>
    %jit3A_467 = arith.constant 5.100000e+01 : f32
    %broadcast_in_dim3A_468 = vector.broadcast %jit3A_467 : f32 to vector<8x1024xf32>
    %select_n3A_469 = arith.select %lt3A_465, %broadcast_in_dim3A_468, %select_n3A_460 : vector<8x1024xi1>, vector<8x1024xf32>
    %slice3A_470 = vector.extract_strided_slice %dot_general3A_7 {offsets = [416, 0], sizes = [8, 1024], strides = [1, 1]} : vector<1024x1024xf32> to vector<8x1024xf32>
    %slice3A_471 = vector.extract_strided_slice %get3A_10 {offsets = [416, 0], sizes = [8, 1], strides = [1, 1]} : vector<1024x1xf32> to vector<8x1xf32>
    %add3A_472 = vector.broadcast %slice3A_471 : vector<8x1xf32> to vector<8x1024xf32>
    %add3A_473 = arith.addf %slice3A_470, %add3A_472 : vector<8x1024xf32>
    %lt3A_474 = arith.cmpf olt, %add3A_473, %select_n3A_466 : vector<8x1024xf32>
    %select_n3A_475 = arith.select %lt3A_474, %add3A_473, %select_n3A_466 : vector<8x1024xi1>, vector<8x1024xf32>
    %jit3A_476 = arith.constant 5.200000e+01 : f32
    %broadcast_in_dim3A_477 = vector.broadcast %jit3A_476 : f32 to vector<8x1024xf32>
    %select_n3A_478 = arith.select %lt3A_474, %broadcast_in_dim3A_477, %select_n3A_469 : vector<8x1024xi1>, vector<8x1024xf32>
    %slice3A_479 = vector.extract_strided_slice %dot_general3A_7 {offsets = [424, 0], sizes = [8, 1024], strides = [1, 1]} : vector<1024x1024xf32> to vector<8x1024xf32>
    %slice3A_480 = vector.extract_strided_slice %get3A_10 {offsets = [424, 0], sizes = [8, 1], strides = [1, 1]} : vector<1024x1xf32> to vector<8x1xf32>
    %add3A_481 = vector.broadcast %slice3A_480 : vector<8x1xf32> to vector<8x1024xf32>
    %add3A_482 = arith.addf %slice3A_479, %add3A_481 : vector<8x1024xf32>
    %lt3A_483 = arith.cmpf olt, %add3A_482, %select_n3A_475 : vector<8x1024xf32>
    %select_n3A_484 = arith.select %lt3A_483, %add3A_482, %select_n3A_475 : vector<8x1024xi1>, vector<8x1024xf32>
    %jit3A_485 = arith.constant 5.300000e+01 : f32
    %broadcast_in_dim3A_486 = vector.broadcast %jit3A_485 : f32 to vector<8x1024xf32>
    %select_n3A_487 = arith.select %lt3A_483, %broadcast_in_dim3A_486, %select_n3A_478 : vector<8x1024xi1>, vector<8x1024xf32>
    %slice3A_488 = vector.extract_strided_slice %dot_general3A_7 {offsets = [432, 0], sizes = [8, 1024], strides = [1, 1]} : vector<1024x1024xf32> to vector<8x1024xf32>
    %slice3A_489 = vector.extract_strided_slice %get3A_10 {offsets = [432, 0], sizes = [8, 1], strides = [1, 1]} : vector<1024x1xf32> to vector<8x1xf32>
    %add3A_490 = vector.broadcast %slice3A_489 : vector<8x1xf32> to vector<8x1024xf32>
    %add3A_491 = arith.addf %slice3A_488, %add3A_490 : vector<8x1024xf32>
    %lt3A_492 = arith.cmpf olt, %add3A_491, %select_n3A_484 : vector<8x1024xf32>
    %select_n3A_493 = arith.select %lt3A_492, %add3A_491, %select_n3A_484 : vector<8x1024xi1>, vector<8x1024xf32>
    %jit3A_494 = arith.constant 5.400000e+01 : f32
    %broadcast_in_dim3A_495 = vector.broadcast %jit3A_494 : f32 to vector<8x1024xf32>
    %select_n3A_496 = arith.select %lt3A_492, %broadcast_in_dim3A_495, %select_n3A_487 : vector<8x1024xi1>, vector<8x1024xf32>
    %slice3A_497 = vector.extract_strided_slice %dot_general3A_7 {offsets = [440, 0], sizes = [8, 1024], strides = [1, 1]} : vector<1024x1024xf32> to vector<8x1024xf32>
    %slice3A_498 = vector.extract_strided_slice %get3A_10 {offsets = [440, 0], sizes = [8, 1], strides = [1, 1]} : vector<1024x1xf32> to vector<8x1xf32>
    %add3A_499 = vector.broadcast %slice3A_498 : vector<8x1xf32> to vector<8x1024xf32>
    %add3A_500 = arith.addf %slice3A_497, %add3A_499 : vector<8x1024xf32>
    %lt3A_501 = arith.cmpf olt, %add3A_500, %select_n3A_493 : vector<8x1024xf32>
    %select_n3A_502 = arith.select %lt3A_501, %add3A_500, %select_n3A_493 : vector<8x1024xi1>, vector<8x1024xf32>
    %jit3A_503 = arith.constant 5.500000e+01 : f32
    %broadcast_in_dim3A_504 = vector.broadcast %jit3A_503 : f32 to vector<8x1024xf32>
    %select_n3A_505 = arith.select %lt3A_501, %broadcast_in_dim3A_504, %select_n3A_496 : vector<8x1024xi1>, vector<8x1024xf32>
    %slice3A_506 = vector.extract_strided_slice %dot_general3A_7 {offsets = [448, 0], sizes = [8, 1024], strides = [1, 1]} : vector<1024x1024xf32> to vector<8x1024xf32>
    %slice3A_507 = vector.extract_strided_slice %get3A_10 {offsets = [448, 0], sizes = [8, 1], strides = [1, 1]} : vector<1024x1xf32> to vector<8x1xf32>
    %add3A_508 = vector.broadcast %slice3A_507 : vector<8x1xf32> to vector<8x1024xf32>
    %add3A_509 = arith.addf %slice3A_506, %add3A_508 : vector<8x1024xf32>
    %lt3A_510 = arith.cmpf olt, %add3A_509, %select_n3A_502 : vector<8x1024xf32>
    %select_n3A_511 = arith.select %lt3A_510, %add3A_509, %select_n3A_502 : vector<8x1024xi1>, vector<8x1024xf32>
    %jit3A_512 = arith.constant 5.600000e+01 : f32
    %broadcast_in_dim3A_513 = vector.broadcast %jit3A_512 : f32 to vector<8x1024xf32>
    %select_n3A_514 = arith.select %lt3A_510, %broadcast_in_dim3A_513, %select_n3A_505 : vector<8x1024xi1>, vector<8x1024xf32>
    %slice3A_515 = vector.extract_strided_slice %dot_general3A_7 {offsets = [456, 0], sizes = [8, 1024], strides = [1, 1]} : vector<1024x1024xf32> to vector<8x1024xf32>
    %slice3A_516 = vector.extract_strided_slice %get3A_10 {offsets = [456, 0], sizes = [8, 1], strides = [1, 1]} : vector<1024x1xf32> to vector<8x1xf32>
    %add3A_517 = vector.broadcast %slice3A_516 : vector<8x1xf32> to vector<8x1024xf32>
    %add3A_518 = arith.addf %slice3A_515, %add3A_517 : vector<8x1024xf32>
    %lt3A_519 = arith.cmpf olt, %add3A_518, %select_n3A_511 : vector<8x1024xf32>
    %select_n3A_520 = arith.select %lt3A_519, %add3A_518, %select_n3A_511 : vector<8x1024xi1>, vector<8x1024xf32>
    %jit3A_521 = arith.constant 5.700000e+01 : f32
    %broadcast_in_dim3A_522 = vector.broadcast %jit3A_521 : f32 to vector<8x1024xf32>
    %select_n3A_523 = arith.select %lt3A_519, %broadcast_in_dim3A_522, %select_n3A_514 : vector<8x1024xi1>, vector<8x1024xf32>
    %slice3A_524 = vector.extract_strided_slice %dot_general3A_7 {offsets = [464, 0], sizes = [8, 1024], strides = [1, 1]} : vector<1024x1024xf32> to vector<8x1024xf32>
    %slice3A_525 = vector.extract_strided_slice %get3A_10 {offsets = [464, 0], sizes = [8, 1], strides = [1, 1]} : vector<1024x1xf32> to vector<8x1xf32>
    %add3A_526 = vector.broadcast %slice3A_525 : vector<8x1xf32> to vector<8x1024xf32>
    %add3A_527 = arith.addf %slice3A_524, %add3A_526 : vector<8x1024xf32>
    %lt3A_528 = arith.cmpf olt, %add3A_527, %select_n3A_520 : vector<8x1024xf32>
    %select_n3A_529 = arith.select %lt3A_528, %add3A_527, %select_n3A_520 : vector<8x1024xi1>, vector<8x1024xf32>
    %jit3A_530 = arith.constant 5.800000e+01 : f32
    %broadcast_in_dim3A_531 = vector.broadcast %jit3A_530 : f32 to vector<8x1024xf32>
    %select_n3A_532 = arith.select %lt3A_528, %broadcast_in_dim3A_531, %select_n3A_523 : vector<8x1024xi1>, vector<8x1024xf32>
    %slice3A_533 = vector.extract_strided_slice %dot_general3A_7 {offsets = [472, 0], sizes = [8, 1024], strides = [1, 1]} : vector<1024x1024xf32> to vector<8x1024xf32>
    %slice3A_534 = vector.extract_strided_slice %get3A_10 {offsets = [472, 0], sizes = [8, 1], strides = [1, 1]} : vector<1024x1xf32> to vector<8x1xf32>
    %add3A_535 = vector.broadcast %slice3A_534 : vector<8x1xf32> to vector<8x1024xf32>
    %add3A_536 = arith.addf %slice3A_533, %add3A_535 : vector<8x1024xf32>
    %lt3A_537 = arith.cmpf olt, %add3A_536, %select_n3A_529 : vector<8x1024xf32>
    %select_n3A_538 = arith.select %lt3A_537, %add3A_536, %select_n3A_529 : vector<8x1024xi1>, vector<8x1024xf32>
    %jit3A_539 = arith.constant 5.900000e+01 : f32
    %broadcast_in_dim3A_540 = vector.broadcast %jit3A_539 : f32 to vector<8x1024xf32>
    %select_n3A_541 = arith.select %lt3A_537, %broadcast_in_dim3A_540, %select_n3A_532 : vector<8x1024xi1>, vector<8x1024xf32>
    %slice3A_542 = vector.extract_strided_slice %dot_general3A_7 {offsets = [480, 0], sizes = [8, 1024], strides = [1, 1]} : vector<1024x1024xf32> to vector<8x1024xf32>
    %slice3A_543 = vector.extract_strided_slice %get3A_10 {offsets = [480, 0], sizes = [8, 1], strides = [1, 1]} : vector<1024x1xf32> to vector<8x1xf32>
    %add3A_544 = vector.broadcast %slice3A_543 : vector<8x1xf32> to vector<8x1024xf32>
    %add3A_545 = arith.addf %slice3A_542, %add3A_544 : vector<8x1024xf32>
    %lt3A_546 = arith.cmpf olt, %add3A_545, %select_n3A_538 : vector<8x1024xf32>
    %select_n3A_547 = arith.select %lt3A_546, %add3A_545, %select_n3A_538 : vector<8x1024xi1>, vector<8x1024xf32>
    %jit3A_548 = arith.constant 6.000000e+01 : f32
    %broadcast_in_dim3A_549 = vector.broadcast %jit3A_548 : f32 to vector<8x1024xf32>
    %select_n3A_550 = arith.select %lt3A_546, %broadcast_in_dim3A_549, %select_n3A_541 : vector<8x1024xi1>, vector<8x1024xf32>
    %slice3A_551 = vector.extract_strided_slice %dot_general3A_7 {offsets = [488, 0], sizes = [8, 1024], strides = [1, 1]} : vector<1024x1024xf32> to vector<8x1024xf32>
    %slice3A_552 = vector.extract_strided_slice %get3A_10 {offsets = [488, 0], sizes = [8, 1], strides = [1, 1]} : vector<1024x1xf32> to vector<8x1xf32>
    %add3A_553 = vector.broadcast %slice3A_552 : vector<8x1xf32> to vector<8x1024xf32>
    %add3A_554 = arith.addf %slice3A_551, %add3A_553 : vector<8x1024xf32>
    %lt3A_555 = arith.cmpf olt, %add3A_554, %select_n3A_547 : vector<8x1024xf32>
    %select_n3A_556 = arith.select %lt3A_555, %add3A_554, %select_n3A_547 : vector<8x1024xi1>, vector<8x1024xf32>
    %jit3A_557 = arith.constant 6.100000e+01 : f32
    %broadcast_in_dim3A_558 = vector.broadcast %jit3A_557 : f32 to vector<8x1024xf32>
    %select_n3A_559 = arith.select %lt3A_555, %broadcast_in_dim3A_558, %select_n3A_550 : vector<8x1024xi1>, vector<8x1024xf32>
    %slice3A_560 = vector.extract_strided_slice %dot_general3A_7 {offsets = [496, 0], sizes = [8, 1024], strides = [1, 1]} : vector<1024x1024xf32> to vector<8x1024xf32>
    %slice3A_561 = vector.extract_strided_slice %get3A_10 {offsets = [496, 0], sizes = [8, 1], strides = [1, 1]} : vector<1024x1xf32> to vector<8x1xf32>
    %add3A_562 = vector.broadcast %slice3A_561 : vector<8x1xf32> to vector<8x1024xf32>
    %add3A_563 = arith.addf %slice3A_560, %add3A_562 : vector<8x1024xf32>
    %lt3A_564 = arith.cmpf olt, %add3A_563, %select_n3A_556 : vector<8x1024xf32>
    %select_n3A_565 = arith.select %lt3A_564, %add3A_563, %select_n3A_556 : vector<8x1024xi1>, vector<8x1024xf32>
    %jit3A_566 = arith.constant 6.200000e+01 : f32
    %broadcast_in_dim3A_567 = vector.broadcast %jit3A_566 : f32 to vector<8x1024xf32>
    %select_n3A_568 = arith.select %lt3A_564, %broadcast_in_dim3A_567, %select_n3A_559 : vector<8x1024xi1>, vector<8x1024xf32>
    %slice3A_569 = vector.extract_strided_slice %dot_general3A_7 {offsets = [504, 0], sizes = [8, 1024], strides = [1, 1]} : vector<1024x1024xf32> to vector<8x1024xf32>
    %slice3A_570 = vector.extract_strided_slice %get3A_10 {offsets = [504, 0], sizes = [8, 1], strides = [1, 1]} : vector<1024x1xf32> to vector<8x1xf32>
    %add3A_571 = vector.broadcast %slice3A_570 : vector<8x1xf32> to vector<8x1024xf32>
    %add3A_572 = arith.addf %slice3A_569, %add3A_571 : vector<8x1024xf32>
    %lt3A_573 = arith.cmpf olt, %add3A_572, %select_n3A_565 : vector<8x1024xf32>
    %select_n3A_574 = arith.select %lt3A_573, %add3A_572, %select_n3A_565 : vector<8x1024xi1>, vector<8x1024xf32>
    %jit3A_575 = arith.constant 6.300000e+01 : f32
    %broadcast_in_dim3A_576 = vector.broadcast %jit3A_575 : f32 to vector<8x1024xf32>
    %select_n3A_577 = arith.select %lt3A_573, %broadcast_in_dim3A_576, %select_n3A_568 : vector<8x1024xi1>, vector<8x1024xf32>
    %slice3A_578 = vector.extract_strided_slice %dot_general3A_7 {offsets = [512, 0], sizes = [8, 1024], strides = [1, 1]} : vector<1024x1024xf32> to vector<8x1024xf32>
    %slice3A_579 = vector.extract_strided_slice %get3A_10 {offsets = [512, 0], sizes = [8, 1], strides = [1, 1]} : vector<1024x1xf32> to vector<8x1xf32>
    %add3A_580 = vector.broadcast %slice3A_579 : vector<8x1xf32> to vector<8x1024xf32>
    %add3A_581 = arith.addf %slice3A_578, %add3A_580 : vector<8x1024xf32>
    %lt3A_582 = arith.cmpf olt, %add3A_581, %select_n3A_574 : vector<8x1024xf32>
    %select_n3A_583 = arith.select %lt3A_582, %add3A_581, %select_n3A_574 : vector<8x1024xi1>, vector<8x1024xf32>
    %jit3A_584 = arith.constant 6.400000e+01 : f32
    %broadcast_in_dim3A_585 = vector.broadcast %jit3A_584 : f32 to vector<8x1024xf32>
    %select_n3A_586 = arith.select %lt3A_582, %broadcast_in_dim3A_585, %select_n3A_577 : vector<8x1024xi1>, vector<8x1024xf32>
    %slice3A_587 = vector.extract_strided_slice %dot_general3A_7 {offsets = [520, 0], sizes = [8, 1024], strides = [1, 1]} : vector<1024x1024xf32> to vector<8x1024xf32>
    %slice3A_588 = vector.extract_strided_slice %get3A_10 {offsets = [520, 0], sizes = [8, 1], strides = [1, 1]} : vector<1024x1xf32> to vector<8x1xf32>
    %add3A_589 = vector.broadcast %slice3A_588 : vector<8x1xf32> to vector<8x1024xf32>
    %add3A_590 = arith.addf %slice3A_587, %add3A_589 : vector<8x1024xf32>
    %lt3A_591 = arith.cmpf olt, %add3A_590, %select_n3A_583 : vector<8x1024xf32>
    %select_n3A_592 = arith.select %lt3A_591, %add3A_590, %select_n3A_583 : vector<8x1024xi1>, vector<8x1024xf32>
    %jit3A_593 = arith.constant 6.500000e+01 : f32
    %broadcast_in_dim3A_594 = vector.broadcast %jit3A_593 : f32 to vector<8x1024xf32>
    %select_n3A_595 = arith.select %lt3A_591, %broadcast_in_dim3A_594, %select_n3A_586 : vector<8x1024xi1>, vector<8x1024xf32>
    %slice3A_596 = vector.extract_strided_slice %dot_general3A_7 {offsets = [528, 0], sizes = [8, 1024], strides = [1, 1]} : vector<1024x1024xf32> to vector<8x1024xf32>
    %slice3A_597 = vector.extract_strided_slice %get3A_10 {offsets = [528, 0], sizes = [8, 1], strides = [1, 1]} : vector<1024x1xf32> to vector<8x1xf32>
    %add3A_598 = vector.broadcast %slice3A_597 : vector<8x1xf32> to vector<8x1024xf32>
    %add3A_599 = arith.addf %slice3A_596, %add3A_598 : vector<8x1024xf32>
    %lt3A_600 = arith.cmpf olt, %add3A_599, %select_n3A_592 : vector<8x1024xf32>
    %select_n3A_601 = arith.select %lt3A_600, %add3A_599, %select_n3A_592 : vector<8x1024xi1>, vector<8x1024xf32>
    %jit3A_602 = arith.constant 6.600000e+01 : f32
    %broadcast_in_dim3A_603 = vector.broadcast %jit3A_602 : f32 to vector<8x1024xf32>
    %select_n3A_604 = arith.select %lt3A_600, %broadcast_in_dim3A_603, %select_n3A_595 : vector<8x1024xi1>, vector<8x1024xf32>
    %slice3A_605 = vector.extract_strided_slice %dot_general3A_7 {offsets = [536, 0], sizes = [8, 1024], strides = [1, 1]} : vector<1024x1024xf32> to vector<8x1024xf32>
    %slice3A_606 = vector.extract_strided_slice %get3A_10 {offsets = [536, 0], sizes = [8, 1], strides = [1, 1]} : vector<1024x1xf32> to vector<8x1xf32>
    %add3A_607 = vector.broadcast %slice3A_606 : vector<8x1xf32> to vector<8x1024xf32>
    %add3A_608 = arith.addf %slice3A_605, %add3A_607 : vector<8x1024xf32>
    %lt3A_609 = arith.cmpf olt, %add3A_608, %select_n3A_601 : vector<8x1024xf32>
    %select_n3A_610 = arith.select %lt3A_609, %add3A_608, %select_n3A_601 : vector<8x1024xi1>, vector<8x1024xf32>
    %jit3A_611 = arith.constant 6.700000e+01 : f32
    %broadcast_in_dim3A_612 = vector.broadcast %jit3A_611 : f32 to vector<8x1024xf32>
    %select_n3A_613 = arith.select %lt3A_609, %broadcast_in_dim3A_612, %select_n3A_604 : vector<8x1024xi1>, vector<8x1024xf32>
    %slice3A_614 = vector.extract_strided_slice %dot_general3A_7 {offsets = [544, 0], sizes = [8, 1024], strides = [1, 1]} : vector<1024x1024xf32> to vector<8x1024xf32>
    %slice3A_615 = vector.extract_strided_slice %get3A_10 {offsets = [544, 0], sizes = [8, 1], strides = [1, 1]} : vector<1024x1xf32> to vector<8x1xf32>
    %add3A_616 = vector.broadcast %slice3A_615 : vector<8x1xf32> to vector<8x1024xf32>
    %add3A_617 = arith.addf %slice3A_614, %add3A_616 : vector<8x1024xf32>
    %lt3A_618 = arith.cmpf olt, %add3A_617, %select_n3A_610 : vector<8x1024xf32>
    %select_n3A_619 = arith.select %lt3A_618, %add3A_617, %select_n3A_610 : vector<8x1024xi1>, vector<8x1024xf32>
    %jit3A_620 = arith.constant 6.800000e+01 : f32
    %broadcast_in_dim3A_621 = vector.broadcast %jit3A_620 : f32 to vector<8x1024xf32>
    %select_n3A_622 = arith.select %lt3A_618, %broadcast_in_dim3A_621, %select_n3A_613 : vector<8x1024xi1>, vector<8x1024xf32>
    %slice3A_623 = vector.extract_strided_slice %dot_general3A_7 {offsets = [552, 0], sizes = [8, 1024], strides = [1, 1]} : vector<1024x1024xf32> to vector<8x1024xf32>
    %slice3A_624 = vector.extract_strided_slice %get3A_10 {offsets = [552, 0], sizes = [8, 1], strides = [1, 1]} : vector<1024x1xf32> to vector<8x1xf32>
    %add3A_625 = vector.broadcast %slice3A_624 : vector<8x1xf32> to vector<8x1024xf32>
    %add3A_626 = arith.addf %slice3A_623, %add3A_625 : vector<8x1024xf32>
    %lt3A_627 = arith.cmpf olt, %add3A_626, %select_n3A_619 : vector<8x1024xf32>
    %select_n3A_628 = arith.select %lt3A_627, %add3A_626, %select_n3A_619 : vector<8x1024xi1>, vector<8x1024xf32>
    %jit3A_629 = arith.constant 6.900000e+01 : f32
    %broadcast_in_dim3A_630 = vector.broadcast %jit3A_629 : f32 to vector<8x1024xf32>
    %select_n3A_631 = arith.select %lt3A_627, %broadcast_in_dim3A_630, %select_n3A_622 : vector<8x1024xi1>, vector<8x1024xf32>
    %slice3A_632 = vector.extract_strided_slice %dot_general3A_7 {offsets = [560, 0], sizes = [8, 1024], strides = [1, 1]} : vector<1024x1024xf32> to vector<8x1024xf32>
    %slice3A_633 = vector.extract_strided_slice %get3A_10 {offsets = [560, 0], sizes = [8, 1], strides = [1, 1]} : vector<1024x1xf32> to vector<8x1xf32>
    %add3A_634 = vector.broadcast %slice3A_633 : vector<8x1xf32> to vector<8x1024xf32>
    %add3A_635 = arith.addf %slice3A_632, %add3A_634 : vector<8x1024xf32>
    %lt3A_636 = arith.cmpf olt, %add3A_635, %select_n3A_628 : vector<8x1024xf32>
    %select_n3A_637 = arith.select %lt3A_636, %add3A_635, %select_n3A_628 : vector<8x1024xi1>, vector<8x1024xf32>
    %jit3A_638 = arith.constant 7.000000e+01 : f32
    %broadcast_in_dim3A_639 = vector.broadcast %jit3A_638 : f32 to vector<8x1024xf32>
    %select_n3A_640 = arith.select %lt3A_636, %broadcast_in_dim3A_639, %select_n3A_631 : vector<8x1024xi1>, vector<8x1024xf32>
    %slice3A_641 = vector.extract_strided_slice %dot_general3A_7 {offsets = [568, 0], sizes = [8, 1024], strides = [1, 1]} : vector<1024x1024xf32> to vector<8x1024xf32>
    %slice3A_642 = vector.extract_strided_slice %get3A_10 {offsets = [568, 0], sizes = [8, 1], strides = [1, 1]} : vector<1024x1xf32> to vector<8x1xf32>
    %add3A_643 = vector.broadcast %slice3A_642 : vector<8x1xf32> to vector<8x1024xf32>
    %add3A_644 = arith.addf %slice3A_641, %add3A_643 : vector<8x1024xf32>
    %lt3A_645 = arith.cmpf olt, %add3A_644, %select_n3A_637 : vector<8x1024xf32>
    %select_n3A_646 = arith.select %lt3A_645, %add3A_644, %select_n3A_637 : vector<8x1024xi1>, vector<8x1024xf32>
    %jit3A_647 = arith.constant 7.100000e+01 : f32
    %broadcast_in_dim3A_648 = vector.broadcast %jit3A_647 : f32 to vector<8x1024xf32>
    %select_n3A_649 = arith.select %lt3A_645, %broadcast_in_dim3A_648, %select_n3A_640 : vector<8x1024xi1>, vector<8x1024xf32>
    %slice3A_650 = vector.extract_strided_slice %dot_general3A_7 {offsets = [576, 0], sizes = [8, 1024], strides = [1, 1]} : vector<1024x1024xf32> to vector<8x1024xf32>
    %slice3A_651 = vector.extract_strided_slice %get3A_10 {offsets = [576, 0], sizes = [8, 1], strides = [1, 1]} : vector<1024x1xf32> to vector<8x1xf32>
    %add3A_652 = vector.broadcast %slice3A_651 : vector<8x1xf32> to vector<8x1024xf32>
    %add3A_653 = arith.addf %slice3A_650, %add3A_652 : vector<8x1024xf32>
    %lt3A_654 = arith.cmpf olt, %add3A_653, %select_n3A_646 : vector<8x1024xf32>
    %select_n3A_655 = arith.select %lt3A_654, %add3A_653, %select_n3A_646 : vector<8x1024xi1>, vector<8x1024xf32>
    %jit3A_656 = arith.constant 7.200000e+01 : f32
    %broadcast_in_dim3A_657 = vector.broadcast %jit3A_656 : f32 to vector<8x1024xf32>
    %select_n3A_658 = arith.select %lt3A_654, %broadcast_in_dim3A_657, %select_n3A_649 : vector<8x1024xi1>, vector<8x1024xf32>
    %slice3A_659 = vector.extract_strided_slice %dot_general3A_7 {offsets = [584, 0], sizes = [8, 1024], strides = [1, 1]} : vector<1024x1024xf32> to vector<8x1024xf32>
    %slice3A_660 = vector.extract_strided_slice %get3A_10 {offsets = [584, 0], sizes = [8, 1], strides = [1, 1]} : vector<1024x1xf32> to vector<8x1xf32>
    %add3A_661 = vector.broadcast %slice3A_660 : vector<8x1xf32> to vector<8x1024xf32>
    %add3A_662 = arith.addf %slice3A_659, %add3A_661 : vector<8x1024xf32>
    %lt3A_663 = arith.cmpf olt, %add3A_662, %select_n3A_655 : vector<8x1024xf32>
    %select_n3A_664 = arith.select %lt3A_663, %add3A_662, %select_n3A_655 : vector<8x1024xi1>, vector<8x1024xf32>
    %jit3A_665 = arith.constant 7.300000e+01 : f32
    %broadcast_in_dim3A_666 = vector.broadcast %jit3A_665 : f32 to vector<8x1024xf32>
    %select_n3A_667 = arith.select %lt3A_663, %broadcast_in_dim3A_666, %select_n3A_658 : vector<8x1024xi1>, vector<8x1024xf32>
    %slice3A_668 = vector.extract_strided_slice %dot_general3A_7 {offsets = [592, 0], sizes = [8, 1024], strides = [1, 1]} : vector<1024x1024xf32> to vector<8x1024xf32>
    %slice3A_669 = vector.extract_strided_slice %get3A_10 {offsets = [592, 0], sizes = [8, 1], strides = [1, 1]} : vector<1024x1xf32> to vector<8x1xf32>
    %add3A_670 = vector.broadcast %slice3A_669 : vector<8x1xf32> to vector<8x1024xf32>
    %add3A_671 = arith.addf %slice3A_668, %add3A_670 : vector<8x1024xf32>
    %lt3A_672 = arith.cmpf olt, %add3A_671, %select_n3A_664 : vector<8x1024xf32>
    %select_n3A_673 = arith.select %lt3A_672, %add3A_671, %select_n3A_664 : vector<8x1024xi1>, vector<8x1024xf32>
    %jit3A_674 = arith.constant 7.400000e+01 : f32
    %broadcast_in_dim3A_675 = vector.broadcast %jit3A_674 : f32 to vector<8x1024xf32>
    %select_n3A_676 = arith.select %lt3A_672, %broadcast_in_dim3A_675, %select_n3A_667 : vector<8x1024xi1>, vector<8x1024xf32>
    %slice3A_677 = vector.extract_strided_slice %dot_general3A_7 {offsets = [600, 0], sizes = [8, 1024], strides = [1, 1]} : vector<1024x1024xf32> to vector<8x1024xf32>
    %slice3A_678 = vector.extract_strided_slice %get3A_10 {offsets = [600, 0], sizes = [8, 1], strides = [1, 1]} : vector<1024x1xf32> to vector<8x1xf32>
    %add3A_679 = vector.broadcast %slice3A_678 : vector<8x1xf32> to vector<8x1024xf32>
    %add3A_680 = arith.addf %slice3A_677, %add3A_679 : vector<8x1024xf32>
    %lt3A_681 = arith.cmpf olt, %add3A_680, %select_n3A_673 : vector<8x1024xf32>
    %select_n3A_682 = arith.select %lt3A_681, %add3A_680, %select_n3A_673 : vector<8x1024xi1>, vector<8x1024xf32>
    %jit3A_683 = arith.constant 7.500000e+01 : f32
    %broadcast_in_dim3A_684 = vector.broadcast %jit3A_683 : f32 to vector<8x1024xf32>
    %select_n3A_685 = arith.select %lt3A_681, %broadcast_in_dim3A_684, %select_n3A_676 : vector<8x1024xi1>, vector<8x1024xf32>
    %slice3A_686 = vector.extract_strided_slice %dot_general3A_7 {offsets = [608, 0], sizes = [8, 1024], strides = [1, 1]} : vector<1024x1024xf32> to vector<8x1024xf32>
    %slice3A_687 = vector.extract_strided_slice %get3A_10 {offsets = [608, 0], sizes = [8, 1], strides = [1, 1]} : vector<1024x1xf32> to vector<8x1xf32>
    %add3A_688 = vector.broadcast %slice3A_687 : vector<8x1xf32> to vector<8x1024xf32>
    %add3A_689 = arith.addf %slice3A_686, %add3A_688 : vector<8x1024xf32>
    %lt3A_690 = arith.cmpf olt, %add3A_689, %select_n3A_682 : vector<8x1024xf32>
    %select_n3A_691 = arith.select %lt3A_690, %add3A_689, %select_n3A_682 : vector<8x1024xi1>, vector<8x1024xf32>
    %jit3A_692 = arith.constant 7.600000e+01 : f32
    %broadcast_in_dim3A_693 = vector.broadcast %jit3A_692 : f32 to vector<8x1024xf32>
    %select_n3A_694 = arith.select %lt3A_690, %broadcast_in_dim3A_693, %select_n3A_685 : vector<8x1024xi1>, vector<8x1024xf32>
    %slice3A_695 = vector.extract_strided_slice %dot_general3A_7 {offsets = [616, 0], sizes = [8, 1024], strides = [1, 1]} : vector<1024x1024xf32> to vector<8x1024xf32>
    %slice3A_696 = vector.extract_strided_slice %get3A_10 {offsets = [616, 0], sizes = [8, 1], strides = [1, 1]} : vector<1024x1xf32> to vector<8x1xf32>
    %add3A_697 = vector.broadcast %slice3A_696 : vector<8x1xf32> to vector<8x1024xf32>
    %add3A_698 = arith.addf %slice3A_695, %add3A_697 : vector<8x1024xf32>
    %lt3A_699 = arith.cmpf olt, %add3A_698, %select_n3A_691 : vector<8x1024xf32>
    %select_n3A_700 = arith.select %lt3A_699, %add3A_698, %select_n3A_691 : vector<8x1024xi1>, vector<8x1024xf32>
    %jit3A_701 = arith.constant 7.700000e+01 : f32
    %broadcast_in_dim3A_702 = vector.broadcast %jit3A_701 : f32 to vector<8x1024xf32>
    %select_n3A_703 = arith.select %lt3A_699, %broadcast_in_dim3A_702, %select_n3A_694 : vector<8x1024xi1>, vector<8x1024xf32>
    %slice3A_704 = vector.extract_strided_slice %dot_general3A_7 {offsets = [624, 0], sizes = [8, 1024], strides = [1, 1]} : vector<1024x1024xf32> to vector<8x1024xf32>
    %slice3A_705 = vector.extract_strided_slice %get3A_10 {offsets = [624, 0], sizes = [8, 1], strides = [1, 1]} : vector<1024x1xf32> to vector<8x1xf32>
    %add3A_706 = vector.broadcast %slice3A_705 : vector<8x1xf32> to vector<8x1024xf32>
    %add3A_707 = arith.addf %slice3A_704, %add3A_706 : vector<8x1024xf32>
    %lt3A_708 = arith.cmpf olt, %add3A_707, %select_n3A_700 : vector<8x1024xf32>
    %select_n3A_709 = arith.select %lt3A_708, %add3A_707, %select_n3A_700 : vector<8x1024xi1>, vector<8x1024xf32>
    %jit3A_710 = arith.constant 7.800000e+01 : f32
    %broadcast_in_dim3A_711 = vector.broadcast %jit3A_710 : f32 to vector<8x1024xf32>
    %select_n3A_712 = arith.select %lt3A_708, %broadcast_in_dim3A_711, %select_n3A_703 : vector<8x1024xi1>, vector<8x1024xf32>
    %slice3A_713 = vector.extract_strided_slice %dot_general3A_7 {offsets = [632, 0], sizes = [8, 1024], strides = [1, 1]} : vector<1024x1024xf32> to vector<8x1024xf32>
    %slice3A_714 = vector.extract_strided_slice %get3A_10 {offsets = [632, 0], sizes = [8, 1], strides = [1, 1]} : vector<1024x1xf32> to vector<8x1xf32>
    %add3A_715 = vector.broadcast %slice3A_714 : vector<8x1xf32> to vector<8x1024xf32>
    %add3A_716 = arith.addf %slice3A_713, %add3A_715 : vector<8x1024xf32>
    %lt3A_717 = arith.cmpf olt, %add3A_716, %select_n3A_709 : vector<8x1024xf32>
    %select_n3A_718 = arith.select %lt3A_717, %add3A_716, %select_n3A_709 : vector<8x1024xi1>, vector<8x1024xf32>
    %jit3A_719 = arith.constant 7.900000e+01 : f32
    %broadcast_in_dim3A_720 = vector.broadcast %jit3A_719 : f32 to vector<8x1024xf32>
    %select_n3A_721 = arith.select %lt3A_717, %broadcast_in_dim3A_720, %select_n3A_712 : vector<8x1024xi1>, vector<8x1024xf32>
    %slice3A_722 = vector.extract_strided_slice %dot_general3A_7 {offsets = [640, 0], sizes = [8, 1024], strides = [1, 1]} : vector<1024x1024xf32> to vector<8x1024xf32>
    %slice3A_723 = vector.extract_strided_slice %get3A_10 {offsets = [640, 0], sizes = [8, 1], strides = [1, 1]} : vector<1024x1xf32> to vector<8x1xf32>
    %add3A_724 = vector.broadcast %slice3A_723 : vector<8x1xf32> to vector<8x1024xf32>
    %add3A_725 = arith.addf %slice3A_722, %add3A_724 : vector<8x1024xf32>
    %lt3A_726 = arith.cmpf olt, %add3A_725, %select_n3A_718 : vector<8x1024xf32>
    %select_n3A_727 = arith.select %lt3A_726, %add3A_725, %select_n3A_718 : vector<8x1024xi1>, vector<8x1024xf32>
    %jit3A_728 = arith.constant 8.000000e+01 : f32
    %broadcast_in_dim3A_729 = vector.broadcast %jit3A_728 : f32 to vector<8x1024xf32>
    %select_n3A_730 = arith.select %lt3A_726, %broadcast_in_dim3A_729, %select_n3A_721 : vector<8x1024xi1>, vector<8x1024xf32>
    %slice3A_731 = vector.extract_strided_slice %dot_general3A_7 {offsets = [648, 0], sizes = [8, 1024], strides = [1, 1]} : vector<1024x1024xf32> to vector<8x1024xf32>
    %slice3A_732 = vector.extract_strided_slice %get3A_10 {offsets = [648, 0], sizes = [8, 1], strides = [1, 1]} : vector<1024x1xf32> to vector<8x1xf32>
    %add3A_733 = vector.broadcast %slice3A_732 : vector<8x1xf32> to vector<8x1024xf32>
    %add3A_734 = arith.addf %slice3A_731, %add3A_733 : vector<8x1024xf32>
    %lt3A_735 = arith.cmpf olt, %add3A_734, %select_n3A_727 : vector<8x1024xf32>
    %select_n3A_736 = arith.select %lt3A_735, %add3A_734, %select_n3A_727 : vector<8x1024xi1>, vector<8x1024xf32>
    %jit3A_737 = arith.constant 8.100000e+01 : f32
    %broadcast_in_dim3A_738 = vector.broadcast %jit3A_737 : f32 to vector<8x1024xf32>
    %select_n3A_739 = arith.select %lt3A_735, %broadcast_in_dim3A_738, %select_n3A_730 : vector<8x1024xi1>, vector<8x1024xf32>
    %slice3A_740 = vector.extract_strided_slice %dot_general3A_7 {offsets = [656, 0], sizes = [8, 1024], strides = [1, 1]} : vector<1024x1024xf32> to vector<8x1024xf32>
    %slice3A_741 = vector.extract_strided_slice %get3A_10 {offsets = [656, 0], sizes = [8, 1], strides = [1, 1]} : vector<1024x1xf32> to vector<8x1xf32>
    %add3A_742 = vector.broadcast %slice3A_741 : vector<8x1xf32> to vector<8x1024xf32>
    %add3A_743 = arith.addf %slice3A_740, %add3A_742 : vector<8x1024xf32>
    %lt3A_744 = arith.cmpf olt, %add3A_743, %select_n3A_736 : vector<8x1024xf32>
    %select_n3A_745 = arith.select %lt3A_744, %add3A_743, %select_n3A_736 : vector<8x1024xi1>, vector<8x1024xf32>
    %jit3A_746 = arith.constant 8.200000e+01 : f32
    %broadcast_in_dim3A_747 = vector.broadcast %jit3A_746 : f32 to vector<8x1024xf32>
    %select_n3A_748 = arith.select %lt3A_744, %broadcast_in_dim3A_747, %select_n3A_739 : vector<8x1024xi1>, vector<8x1024xf32>
    %slice3A_749 = vector.extract_strided_slice %dot_general3A_7 {offsets = [664, 0], sizes = [8, 1024], strides = [1, 1]} : vector<1024x1024xf32> to vector<8x1024xf32>
    %slice3A_750 = vector.extract_strided_slice %get3A_10 {offsets = [664, 0], sizes = [8, 1], strides = [1, 1]} : vector<1024x1xf32> to vector<8x1xf32>
    %add3A_751 = vector.broadcast %slice3A_750 : vector<8x1xf32> to vector<8x1024xf32>
    %add3A_752 = arith.addf %slice3A_749, %add3A_751 : vector<8x1024xf32>
    %lt3A_753 = arith.cmpf olt, %add3A_752, %select_n3A_745 : vector<8x1024xf32>
    %select_n3A_754 = arith.select %lt3A_753, %add3A_752, %select_n3A_745 : vector<8x1024xi1>, vector<8x1024xf32>
    %jit3A_755 = arith.constant 8.300000e+01 : f32
    %broadcast_in_dim3A_756 = vector.broadcast %jit3A_755 : f32 to vector<8x1024xf32>
    %select_n3A_757 = arith.select %lt3A_753, %broadcast_in_dim3A_756, %select_n3A_748 : vector<8x1024xi1>, vector<8x1024xf32>
    %slice3A_758 = vector.extract_strided_slice %dot_general3A_7 {offsets = [672, 0], sizes = [8, 1024], strides = [1, 1]} : vector<1024x1024xf32> to vector<8x1024xf32>
    %slice3A_759 = vector.extract_strided_slice %get3A_10 {offsets = [672, 0], sizes = [8, 1], strides = [1, 1]} : vector<1024x1xf32> to vector<8x1xf32>
    %add3A_760 = vector.broadcast %slice3A_759 : vector<8x1xf32> to vector<8x1024xf32>
    %add3A_761 = arith.addf %slice3A_758, %add3A_760 : vector<8x1024xf32>
    %lt3A_762 = arith.cmpf olt, %add3A_761, %select_n3A_754 : vector<8x1024xf32>
    %select_n3A_763 = arith.select %lt3A_762, %add3A_761, %select_n3A_754 : vector<8x1024xi1>, vector<8x1024xf32>
    %jit3A_764 = arith.constant 8.400000e+01 : f32
    %broadcast_in_dim3A_765 = vector.broadcast %jit3A_764 : f32 to vector<8x1024xf32>
    %select_n3A_766 = arith.select %lt3A_762, %broadcast_in_dim3A_765, %select_n3A_757 : vector<8x1024xi1>, vector<8x1024xf32>
    %slice3A_767 = vector.extract_strided_slice %dot_general3A_7 {offsets = [680, 0], sizes = [8, 1024], strides = [1, 1]} : vector<1024x1024xf32> to vector<8x1024xf32>
    %slice3A_768 = vector.extract_strided_slice %get3A_10 {offsets = [680, 0], sizes = [8, 1], strides = [1, 1]} : vector<1024x1xf32> to vector<8x1xf32>
    %add3A_769 = vector.broadcast %slice3A_768 : vector<8x1xf32> to vector<8x1024xf32>
    %add3A_770 = arith.addf %slice3A_767, %add3A_769 : vector<8x1024xf32>
    %lt3A_771 = arith.cmpf olt, %add3A_770, %select_n3A_763 : vector<8x1024xf32>
    %select_n3A_772 = arith.select %lt3A_771, %add3A_770, %select_n3A_763 : vector<8x1024xi1>, vector<8x1024xf32>
    %jit3A_773 = arith.constant 8.500000e+01 : f32
    %broadcast_in_dim3A_774 = vector.broadcast %jit3A_773 : f32 to vector<8x1024xf32>
    %select_n3A_775 = arith.select %lt3A_771, %broadcast_in_dim3A_774, %select_n3A_766 : vector<8x1024xi1>, vector<8x1024xf32>
    %slice3A_776 = vector.extract_strided_slice %dot_general3A_7 {offsets = [688, 0], sizes = [8, 1024], strides = [1, 1]} : vector<1024x1024xf32> to vector<8x1024xf32>
    %slice3A_777 = vector.extract_strided_slice %get3A_10 {offsets = [688, 0], sizes = [8, 1], strides = [1, 1]} : vector<1024x1xf32> to vector<8x1xf32>
    %add3A_778 = vector.broadcast %slice3A_777 : vector<8x1xf32> to vector<8x1024xf32>
    %add3A_779 = arith.addf %slice3A_776, %add3A_778 : vector<8x1024xf32>
    %lt3A_780 = arith.cmpf olt, %add3A_779, %select_n3A_772 : vector<8x1024xf32>
    %select_n3A_781 = arith.select %lt3A_780, %add3A_779, %select_n3A_772 : vector<8x1024xi1>, vector<8x1024xf32>
    %jit3A_782 = arith.constant 8.600000e+01 : f32
    %broadcast_in_dim3A_783 = vector.broadcast %jit3A_782 : f32 to vector<8x1024xf32>
    %select_n3A_784 = arith.select %lt3A_780, %broadcast_in_dim3A_783, %select_n3A_775 : vector<8x1024xi1>, vector<8x1024xf32>
    %slice3A_785 = vector.extract_strided_slice %dot_general3A_7 {offsets = [696, 0], sizes = [8, 1024], strides = [1, 1]} : vector<1024x1024xf32> to vector<8x1024xf32>
    %slice3A_786 = vector.extract_strided_slice %get3A_10 {offsets = [696, 0], sizes = [8, 1], strides = [1, 1]} : vector<1024x1xf32> to vector<8x1xf32>
    %add3A_787 = vector.broadcast %slice3A_786 : vector<8x1xf32> to vector<8x1024xf32>
    %add3A_788 = arith.addf %slice3A_785, %add3A_787 : vector<8x1024xf32>
    %lt3A_789 = arith.cmpf olt, %add3A_788, %select_n3A_781 : vector<8x1024xf32>
    %select_n3A_790 = arith.select %lt3A_789, %add3A_788, %select_n3A_781 : vector<8x1024xi1>, vector<8x1024xf32>
    %jit3A_791 = arith.constant 8.700000e+01 : f32
    %broadcast_in_dim3A_792 = vector.broadcast %jit3A_791 : f32 to vector<8x1024xf32>
    %select_n3A_793 = arith.select %lt3A_789, %broadcast_in_dim3A_792, %select_n3A_784 : vector<8x1024xi1>, vector<8x1024xf32>
    %slice3A_794 = vector.extract_strided_slice %dot_general3A_7 {offsets = [704, 0], sizes = [8, 1024], strides = [1, 1]} : vector<1024x1024xf32> to vector<8x1024xf32>
    %slice3A_795 = vector.extract_strided_slice %get3A_10 {offsets = [704, 0], sizes = [8, 1], strides = [1, 1]} : vector<1024x1xf32> to vector<8x1xf32>
    %add3A_796 = vector.broadcast %slice3A_795 : vector<8x1xf32> to vector<8x1024xf32>
    %add3A_797 = arith.addf %slice3A_794, %add3A_796 : vector<8x1024xf32>
    %lt3A_798 = arith.cmpf olt, %add3A_797, %select_n3A_790 : vector<8x1024xf32>
    %select_n3A_799 = arith.select %lt3A_798, %add3A_797, %select_n3A_790 : vector<8x1024xi1>, vector<8x1024xf32>
    %jit3A_800 = arith.constant 8.800000e+01 : f32
    %broadcast_in_dim3A_801 = vector.broadcast %jit3A_800 : f32 to vector<8x1024xf32>
    %select_n3A_802 = arith.select %lt3A_798, %broadcast_in_dim3A_801, %select_n3A_793 : vector<8x1024xi1>, vector<8x1024xf32>
    %slice3A_803 = vector.extract_strided_slice %dot_general3A_7 {offsets = [712, 0], sizes = [8, 1024], strides = [1, 1]} : vector<1024x1024xf32> to vector<8x1024xf32>
    %slice3A_804 = vector.extract_strided_slice %get3A_10 {offsets = [712, 0], sizes = [8, 1], strides = [1, 1]} : vector<1024x1xf32> to vector<8x1xf32>
    %add3A_805 = vector.broadcast %slice3A_804 : vector<8x1xf32> to vector<8x1024xf32>
    %add3A_806 = arith.addf %slice3A_803, %add3A_805 : vector<8x1024xf32>
    %lt3A_807 = arith.cmpf olt, %add3A_806, %select_n3A_799 : vector<8x1024xf32>
    %select_n3A_808 = arith.select %lt3A_807, %add3A_806, %select_n3A_799 : vector<8x1024xi1>, vector<8x1024xf32>
    %jit3A_809 = arith.constant 8.900000e+01 : f32
    %broadcast_in_dim3A_810 = vector.broadcast %jit3A_809 : f32 to vector<8x1024xf32>
    %select_n3A_811 = arith.select %lt3A_807, %broadcast_in_dim3A_810, %select_n3A_802 : vector<8x1024xi1>, vector<8x1024xf32>
    %slice3A_812 = vector.extract_strided_slice %dot_general3A_7 {offsets = [720, 0], sizes = [8, 1024], strides = [1, 1]} : vector<1024x1024xf32> to vector<8x1024xf32>
    %slice3A_813 = vector.extract_strided_slice %get3A_10 {offsets = [720, 0], sizes = [8, 1], strides = [1, 1]} : vector<1024x1xf32> to vector<8x1xf32>
    %add3A_814 = vector.broadcast %slice3A_813 : vector<8x1xf32> to vector<8x1024xf32>
    %add3A_815 = arith.addf %slice3A_812, %add3A_814 : vector<8x1024xf32>
    %lt3A_816 = arith.cmpf olt, %add3A_815, %select_n3A_808 : vector<8x1024xf32>
    %select_n3A_817 = arith.select %lt3A_816, %add3A_815, %select_n3A_808 : vector<8x1024xi1>, vector<8x1024xf32>
    %jit3A_818 = arith.constant 9.000000e+01 : f32
    %broadcast_in_dim3A_819 = vector.broadcast %jit3A_818 : f32 to vector<8x1024xf32>
    %select_n3A_820 = arith.select %lt3A_816, %broadcast_in_dim3A_819, %select_n3A_811 : vector<8x1024xi1>, vector<8x1024xf32>
    %slice3A_821 = vector.extract_strided_slice %dot_general3A_7 {offsets = [728, 0], sizes = [8, 1024], strides = [1, 1]} : vector<1024x1024xf32> to vector<8x1024xf32>
    %slice3A_822 = vector.extract_strided_slice %get3A_10 {offsets = [728, 0], sizes = [8, 1], strides = [1, 1]} : vector<1024x1xf32> to vector<8x1xf32>
    %add3A_823 = vector.broadcast %slice3A_822 : vector<8x1xf32> to vector<8x1024xf32>
    %add3A_824 = arith.addf %slice3A_821, %add3A_823 : vector<8x1024xf32>
    %lt3A_825 = arith.cmpf olt, %add3A_824, %select_n3A_817 : vector<8x1024xf32>
    %select_n3A_826 = arith.select %lt3A_825, %add3A_824, %select_n3A_817 : vector<8x1024xi1>, vector<8x1024xf32>
    %jit3A_827 = arith.constant 9.100000e+01 : f32
    %broadcast_in_dim3A_828 = vector.broadcast %jit3A_827 : f32 to vector<8x1024xf32>
    %select_n3A_829 = arith.select %lt3A_825, %broadcast_in_dim3A_828, %select_n3A_820 : vector<8x1024xi1>, vector<8x1024xf32>
    %slice3A_830 = vector.extract_strided_slice %dot_general3A_7 {offsets = [736, 0], sizes = [8, 1024], strides = [1, 1]} : vector<1024x1024xf32> to vector<8x1024xf32>
    %slice3A_831 = vector.extract_strided_slice %get3A_10 {offsets = [736, 0], sizes = [8, 1], strides = [1, 1]} : vector<1024x1xf32> to vector<8x1xf32>
    %add3A_832 = vector.broadcast %slice3A_831 : vector<8x1xf32> to vector<8x1024xf32>
    %add3A_833 = arith.addf %slice3A_830, %add3A_832 : vector<8x1024xf32>
    %lt3A_834 = arith.cmpf olt, %add3A_833, %select_n3A_826 : vector<8x1024xf32>
    %select_n3A_835 = arith.select %lt3A_834, %add3A_833, %select_n3A_826 : vector<8x1024xi1>, vector<8x1024xf32>
    %jit3A_836 = arith.constant 9.200000e+01 : f32
    %broadcast_in_dim3A_837 = vector.broadcast %jit3A_836 : f32 to vector<8x1024xf32>
    %select_n3A_838 = arith.select %lt3A_834, %broadcast_in_dim3A_837, %select_n3A_829 : vector<8x1024xi1>, vector<8x1024xf32>
    %slice3A_839 = vector.extract_strided_slice %dot_general3A_7 {offsets = [744, 0], sizes = [8, 1024], strides = [1, 1]} : vector<1024x1024xf32> to vector<8x1024xf32>
    %slice3A_840 = vector.extract_strided_slice %get3A_10 {offsets = [744, 0], sizes = [8, 1], strides = [1, 1]} : vector<1024x1xf32> to vector<8x1xf32>
    %add3A_841 = vector.broadcast %slice3A_840 : vector<8x1xf32> to vector<8x1024xf32>
    %add3A_842 = arith.addf %slice3A_839, %add3A_841 : vector<8x1024xf32>
    %lt3A_843 = arith.cmpf olt, %add3A_842, %select_n3A_835 : vector<8x1024xf32>
    %select_n3A_844 = arith.select %lt3A_843, %add3A_842, %select_n3A_835 : vector<8x1024xi1>, vector<8x1024xf32>
    %jit3A_845 = arith.constant 9.300000e+01 : f32
    %broadcast_in_dim3A_846 = vector.broadcast %jit3A_845 : f32 to vector<8x1024xf32>
    %select_n3A_847 = arith.select %lt3A_843, %broadcast_in_dim3A_846, %select_n3A_838 : vector<8x1024xi1>, vector<8x1024xf32>
    %slice3A_848 = vector.extract_strided_slice %dot_general3A_7 {offsets = [752, 0], sizes = [8, 1024], strides = [1, 1]} : vector<1024x1024xf32> to vector<8x1024xf32>
    %slice3A_849 = vector.extract_strided_slice %get3A_10 {offsets = [752, 0], sizes = [8, 1], strides = [1, 1]} : vector<1024x1xf32> to vector<8x1xf32>
    %add3A_850 = vector.broadcast %slice3A_849 : vector<8x1xf32> to vector<8x1024xf32>
    %add3A_851 = arith.addf %slice3A_848, %add3A_850 : vector<8x1024xf32>
    %lt3A_852 = arith.cmpf olt, %add3A_851, %select_n3A_844 : vector<8x1024xf32>
    %select_n3A_853 = arith.select %lt3A_852, %add3A_851, %select_n3A_844 : vector<8x1024xi1>, vector<8x1024xf32>
    %jit3A_854 = arith.constant 9.400000e+01 : f32
    %broadcast_in_dim3A_855 = vector.broadcast %jit3A_854 : f32 to vector<8x1024xf32>
    %select_n3A_856 = arith.select %lt3A_852, %broadcast_in_dim3A_855, %select_n3A_847 : vector<8x1024xi1>, vector<8x1024xf32>
    %slice3A_857 = vector.extract_strided_slice %dot_general3A_7 {offsets = [760, 0], sizes = [8, 1024], strides = [1, 1]} : vector<1024x1024xf32> to vector<8x1024xf32>
    %slice3A_858 = vector.extract_strided_slice %get3A_10 {offsets = [760, 0], sizes = [8, 1], strides = [1, 1]} : vector<1024x1xf32> to vector<8x1xf32>
    %add3A_859 = vector.broadcast %slice3A_858 : vector<8x1xf32> to vector<8x1024xf32>
    %add3A_860 = arith.addf %slice3A_857, %add3A_859 : vector<8x1024xf32>
    %lt3A_861 = arith.cmpf olt, %add3A_860, %select_n3A_853 : vector<8x1024xf32>
    %select_n3A_862 = arith.select %lt3A_861, %add3A_860, %select_n3A_853 : vector<8x1024xi1>, vector<8x1024xf32>
    %jit3A_863 = arith.constant 9.500000e+01 : f32
    %broadcast_in_dim3A_864 = vector.broadcast %jit3A_863 : f32 to vector<8x1024xf32>
    %select_n3A_865 = arith.select %lt3A_861, %broadcast_in_dim3A_864, %select_n3A_856 : vector<8x1024xi1>, vector<8x1024xf32>
    %slice3A_866 = vector.extract_strided_slice %dot_general3A_7 {offsets = [768, 0], sizes = [8, 1024], strides = [1, 1]} : vector<1024x1024xf32> to vector<8x1024xf32>
    %slice3A_867 = vector.extract_strided_slice %get3A_10 {offsets = [768, 0], sizes = [8, 1], strides = [1, 1]} : vector<1024x1xf32> to vector<8x1xf32>
    %add3A_868 = vector.broadcast %slice3A_867 : vector<8x1xf32> to vector<8x1024xf32>
    %add3A_869 = arith.addf %slice3A_866, %add3A_868 : vector<8x1024xf32>
    %lt3A_870 = arith.cmpf olt, %add3A_869, %select_n3A_862 : vector<8x1024xf32>
    %select_n3A_871 = arith.select %lt3A_870, %add3A_869, %select_n3A_862 : vector<8x1024xi1>, vector<8x1024xf32>
    %jit3A_872 = arith.constant 9.600000e+01 : f32
    %broadcast_in_dim3A_873 = vector.broadcast %jit3A_872 : f32 to vector<8x1024xf32>
    %select_n3A_874 = arith.select %lt3A_870, %broadcast_in_dim3A_873, %select_n3A_865 : vector<8x1024xi1>, vector<8x1024xf32>
    %slice3A_875 = vector.extract_strided_slice %dot_general3A_7 {offsets = [776, 0], sizes = [8, 1024], strides = [1, 1]} : vector<1024x1024xf32> to vector<8x1024xf32>
    %slice3A_876 = vector.extract_strided_slice %get3A_10 {offsets = [776, 0], sizes = [8, 1], strides = [1, 1]} : vector<1024x1xf32> to vector<8x1xf32>
    %add3A_877 = vector.broadcast %slice3A_876 : vector<8x1xf32> to vector<8x1024xf32>
    %add3A_878 = arith.addf %slice3A_875, %add3A_877 : vector<8x1024xf32>
    %lt3A_879 = arith.cmpf olt, %add3A_878, %select_n3A_871 : vector<8x1024xf32>
    %select_n3A_880 = arith.select %lt3A_879, %add3A_878, %select_n3A_871 : vector<8x1024xi1>, vector<8x1024xf32>
    %jit3A_881 = arith.constant 9.700000e+01 : f32
    %broadcast_in_dim3A_882 = vector.broadcast %jit3A_881 : f32 to vector<8x1024xf32>
    %select_n3A_883 = arith.select %lt3A_879, %broadcast_in_dim3A_882, %select_n3A_874 : vector<8x1024xi1>, vector<8x1024xf32>
    %slice3A_884 = vector.extract_strided_slice %dot_general3A_7 {offsets = [784, 0], sizes = [8, 1024], strides = [1, 1]} : vector<1024x1024xf32> to vector<8x1024xf32>
    %slice3A_885 = vector.extract_strided_slice %get3A_10 {offsets = [784, 0], sizes = [8, 1], strides = [1, 1]} : vector<1024x1xf32> to vector<8x1xf32>
    %add3A_886 = vector.broadcast %slice3A_885 : vector<8x1xf32> to vector<8x1024xf32>
    %add3A_887 = arith.addf %slice3A_884, %add3A_886 : vector<8x1024xf32>
    %lt3A_888 = arith.cmpf olt, %add3A_887, %select_n3A_880 : vector<8x1024xf32>
    %select_n3A_889 = arith.select %lt3A_888, %add3A_887, %select_n3A_880 : vector<8x1024xi1>, vector<8x1024xf32>
    %jit3A_890 = arith.constant 9.800000e+01 : f32
    %broadcast_in_dim3A_891 = vector.broadcast %jit3A_890 : f32 to vector<8x1024xf32>
    %select_n3A_892 = arith.select %lt3A_888, %broadcast_in_dim3A_891, %select_n3A_883 : vector<8x1024xi1>, vector<8x1024xf32>
    %slice3A_893 = vector.extract_strided_slice %dot_general3A_7 {offsets = [792, 0], sizes = [8, 1024], strides = [1, 1]} : vector<1024x1024xf32> to vector<8x1024xf32>
    %slice3A_894 = vector.extract_strided_slice %get3A_10 {offsets = [792, 0], sizes = [8, 1], strides = [1, 1]} : vector<1024x1xf32> to vector<8x1xf32>
    %add3A_895 = vector.broadcast %slice3A_894 : vector<8x1xf32> to vector<8x1024xf32>
    %add3A_896 = arith.addf %slice3A_893, %add3A_895 : vector<8x1024xf32>
    %lt3A_897 = arith.cmpf olt, %add3A_896, %select_n3A_889 : vector<8x1024xf32>
    %select_n3A_898 = arith.select %lt3A_897, %add3A_896, %select_n3A_889 : vector<8x1024xi1>, vector<8x1024xf32>
    %jit3A_899 = arith.constant 9.900000e+01 : f32
    %broadcast_in_dim3A_900 = vector.broadcast %jit3A_899 : f32 to vector<8x1024xf32>
    %select_n3A_901 = arith.select %lt3A_897, %broadcast_in_dim3A_900, %select_n3A_892 : vector<8x1024xi1>, vector<8x1024xf32>
    %slice3A_902 = vector.extract_strided_slice %dot_general3A_7 {offsets = [800, 0], sizes = [8, 1024], strides = [1, 1]} : vector<1024x1024xf32> to vector<8x1024xf32>
    %slice3A_903 = vector.extract_strided_slice %get3A_10 {offsets = [800, 0], sizes = [8, 1], strides = [1, 1]} : vector<1024x1xf32> to vector<8x1xf32>
    %add3A_904 = vector.broadcast %slice3A_903 : vector<8x1xf32> to vector<8x1024xf32>
    %add3A_905 = arith.addf %slice3A_902, %add3A_904 : vector<8x1024xf32>
    %lt3A_906 = arith.cmpf olt, %add3A_905, %select_n3A_898 : vector<8x1024xf32>
    %select_n3A_907 = arith.select %lt3A_906, %add3A_905, %select_n3A_898 : vector<8x1024xi1>, vector<8x1024xf32>
    %jit3A_908 = arith.constant 1.000000e+02 : f32
    %broadcast_in_dim3A_909 = vector.broadcast %jit3A_908 : f32 to vector<8x1024xf32>
    %select_n3A_910 = arith.select %lt3A_906, %broadcast_in_dim3A_909, %select_n3A_901 : vector<8x1024xi1>, vector<8x1024xf32>
    %slice3A_911 = vector.extract_strided_slice %dot_general3A_7 {offsets = [808, 0], sizes = [8, 1024], strides = [1, 1]} : vector<1024x1024xf32> to vector<8x1024xf32>
    %slice3A_912 = vector.extract_strided_slice %get3A_10 {offsets = [808, 0], sizes = [8, 1], strides = [1, 1]} : vector<1024x1xf32> to vector<8x1xf32>
    %add3A_913 = vector.broadcast %slice3A_912 : vector<8x1xf32> to vector<8x1024xf32>
    %add3A_914 = arith.addf %slice3A_911, %add3A_913 : vector<8x1024xf32>
    %lt3A_915 = arith.cmpf olt, %add3A_914, %select_n3A_907 : vector<8x1024xf32>
    %select_n3A_916 = arith.select %lt3A_915, %add3A_914, %select_n3A_907 : vector<8x1024xi1>, vector<8x1024xf32>
    %jit3A_917 = arith.constant 1.010000e+02 : f32
    %broadcast_in_dim3A_918 = vector.broadcast %jit3A_917 : f32 to vector<8x1024xf32>
    %select_n3A_919 = arith.select %lt3A_915, %broadcast_in_dim3A_918, %select_n3A_910 : vector<8x1024xi1>, vector<8x1024xf32>
    %slice3A_920 = vector.extract_strided_slice %dot_general3A_7 {offsets = [816, 0], sizes = [8, 1024], strides = [1, 1]} : vector<1024x1024xf32> to vector<8x1024xf32>
    %slice3A_921 = vector.extract_strided_slice %get3A_10 {offsets = [816, 0], sizes = [8, 1], strides = [1, 1]} : vector<1024x1xf32> to vector<8x1xf32>
    %add3A_922 = vector.broadcast %slice3A_921 : vector<8x1xf32> to vector<8x1024xf32>
    %add3A_923 = arith.addf %slice3A_920, %add3A_922 : vector<8x1024xf32>
    %lt3A_924 = arith.cmpf olt, %add3A_923, %select_n3A_916 : vector<8x1024xf32>
    %select_n3A_925 = arith.select %lt3A_924, %add3A_923, %select_n3A_916 : vector<8x1024xi1>, vector<8x1024xf32>
    %jit3A_926 = arith.constant 1.020000e+02 : f32
    %broadcast_in_dim3A_927 = vector.broadcast %jit3A_926 : f32 to vector<8x1024xf32>
    %select_n3A_928 = arith.select %lt3A_924, %broadcast_in_dim3A_927, %select_n3A_919 : vector<8x1024xi1>, vector<8x1024xf32>
    %slice3A_929 = vector.extract_strided_slice %dot_general3A_7 {offsets = [824, 0], sizes = [8, 1024], strides = [1, 1]} : vector<1024x1024xf32> to vector<8x1024xf32>
    %slice3A_930 = vector.extract_strided_slice %get3A_10 {offsets = [824, 0], sizes = [8, 1], strides = [1, 1]} : vector<1024x1xf32> to vector<8x1xf32>
    %add3A_931 = vector.broadcast %slice3A_930 : vector<8x1xf32> to vector<8x1024xf32>
    %add3A_932 = arith.addf %slice3A_929, %add3A_931 : vector<8x1024xf32>
    %lt3A_933 = arith.cmpf olt, %add3A_932, %select_n3A_925 : vector<8x1024xf32>
    %select_n3A_934 = arith.select %lt3A_933, %add3A_932, %select_n3A_925 : vector<8x1024xi1>, vector<8x1024xf32>
    %jit3A_935 = arith.constant 1.030000e+02 : f32
    %broadcast_in_dim3A_936 = vector.broadcast %jit3A_935 : f32 to vector<8x1024xf32>
    %select_n3A_937 = arith.select %lt3A_933, %broadcast_in_dim3A_936, %select_n3A_928 : vector<8x1024xi1>, vector<8x1024xf32>
    %slice3A_938 = vector.extract_strided_slice %dot_general3A_7 {offsets = [832, 0], sizes = [8, 1024], strides = [1, 1]} : vector<1024x1024xf32> to vector<8x1024xf32>
    %slice3A_939 = vector.extract_strided_slice %get3A_10 {offsets = [832, 0], sizes = [8, 1], strides = [1, 1]} : vector<1024x1xf32> to vector<8x1xf32>
    %add3A_940 = vector.broadcast %slice3A_939 : vector<8x1xf32> to vector<8x1024xf32>
    %add3A_941 = arith.addf %slice3A_938, %add3A_940 : vector<8x1024xf32>
    %lt3A_942 = arith.cmpf olt, %add3A_941, %select_n3A_934 : vector<8x1024xf32>
    %select_n3A_943 = arith.select %lt3A_942, %add3A_941, %select_n3A_934 : vector<8x1024xi1>, vector<8x1024xf32>
    %jit3A_944 = arith.constant 1.040000e+02 : f32
    %broadcast_in_dim3A_945 = vector.broadcast %jit3A_944 : f32 to vector<8x1024xf32>
    %select_n3A_946 = arith.select %lt3A_942, %broadcast_in_dim3A_945, %select_n3A_937 : vector<8x1024xi1>, vector<8x1024xf32>
    %slice3A_947 = vector.extract_strided_slice %dot_general3A_7 {offsets = [840, 0], sizes = [8, 1024], strides = [1, 1]} : vector<1024x1024xf32> to vector<8x1024xf32>
    %slice3A_948 = vector.extract_strided_slice %get3A_10 {offsets = [840, 0], sizes = [8, 1], strides = [1, 1]} : vector<1024x1xf32> to vector<8x1xf32>
    %add3A_949 = vector.broadcast %slice3A_948 : vector<8x1xf32> to vector<8x1024xf32>
    %add3A_950 = arith.addf %slice3A_947, %add3A_949 : vector<8x1024xf32>
    %lt3A_951 = arith.cmpf olt, %add3A_950, %select_n3A_943 : vector<8x1024xf32>
    %select_n3A_952 = arith.select %lt3A_951, %add3A_950, %select_n3A_943 : vector<8x1024xi1>, vector<8x1024xf32>
    %jit3A_953 = arith.constant 1.050000e+02 : f32
    %broadcast_in_dim3A_954 = vector.broadcast %jit3A_953 : f32 to vector<8x1024xf32>
    %select_n3A_955 = arith.select %lt3A_951, %broadcast_in_dim3A_954, %select_n3A_946 : vector<8x1024xi1>, vector<8x1024xf32>
    %slice3A_956 = vector.extract_strided_slice %dot_general3A_7 {offsets = [848, 0], sizes = [8, 1024], strides = [1, 1]} : vector<1024x1024xf32> to vector<8x1024xf32>
    %slice3A_957 = vector.extract_strided_slice %get3A_10 {offsets = [848, 0], sizes = [8, 1], strides = [1, 1]} : vector<1024x1xf32> to vector<8x1xf32>
    %add3A_958 = vector.broadcast %slice3A_957 : vector<8x1xf32> to vector<8x1024xf32>
    %add3A_959 = arith.addf %slice3A_956, %add3A_958 : vector<8x1024xf32>
    %lt3A_960 = arith.cmpf olt, %add3A_959, %select_n3A_952 : vector<8x1024xf32>
    %select_n3A_961 = arith.select %lt3A_960, %add3A_959, %select_n3A_952 : vector<8x1024xi1>, vector<8x1024xf32>
    %jit3A_962 = arith.constant 1.060000e+02 : f32
    %broadcast_in_dim3A_963 = vector.broadcast %jit3A_962 : f32 to vector<8x1024xf32>
    %select_n3A_964 = arith.select %lt3A_960, %broadcast_in_dim3A_963, %select_n3A_955 : vector<8x1024xi1>, vector<8x1024xf32>
    %slice3A_965 = vector.extract_strided_slice %dot_general3A_7 {offsets = [856, 0], sizes = [8, 1024], strides = [1, 1]} : vector<1024x1024xf32> to vector<8x1024xf32>
    %slice3A_966 = vector.extract_strided_slice %get3A_10 {offsets = [856, 0], sizes = [8, 1], strides = [1, 1]} : vector<1024x1xf32> to vector<8x1xf32>
    %add3A_967 = vector.broadcast %slice3A_966 : vector<8x1xf32> to vector<8x1024xf32>
    %add3A_968 = arith.addf %slice3A_965, %add3A_967 : vector<8x1024xf32>
    %lt3A_969 = arith.cmpf olt, %add3A_968, %select_n3A_961 : vector<8x1024xf32>
    %select_n3A_970 = arith.select %lt3A_969, %add3A_968, %select_n3A_961 : vector<8x1024xi1>, vector<8x1024xf32>
    %jit3A_971 = arith.constant 1.070000e+02 : f32
    %broadcast_in_dim3A_972 = vector.broadcast %jit3A_971 : f32 to vector<8x1024xf32>
    %select_n3A_973 = arith.select %lt3A_969, %broadcast_in_dim3A_972, %select_n3A_964 : vector<8x1024xi1>, vector<8x1024xf32>
    %slice3A_974 = vector.extract_strided_slice %dot_general3A_7 {offsets = [864, 0], sizes = [8, 1024], strides = [1, 1]} : vector<1024x1024xf32> to vector<8x1024xf32>
    %slice3A_975 = vector.extract_strided_slice %get3A_10 {offsets = [864, 0], sizes = [8, 1], strides = [1, 1]} : vector<1024x1xf32> to vector<8x1xf32>
    %add3A_976 = vector.broadcast %slice3A_975 : vector<8x1xf32> to vector<8x1024xf32>
    %add3A_977 = arith.addf %slice3A_974, %add3A_976 : vector<8x1024xf32>
    %lt3A_978 = arith.cmpf olt, %add3A_977, %select_n3A_970 : vector<8x1024xf32>
    %select_n3A_979 = arith.select %lt3A_978, %add3A_977, %select_n3A_970 : vector<8x1024xi1>, vector<8x1024xf32>
    %jit3A_980 = arith.constant 1.080000e+02 : f32
    %broadcast_in_dim3A_981 = vector.broadcast %jit3A_980 : f32 to vector<8x1024xf32>
    %select_n3A_982 = arith.select %lt3A_978, %broadcast_in_dim3A_981, %select_n3A_973 : vector<8x1024xi1>, vector<8x1024xf32>
    %slice3A_983 = vector.extract_strided_slice %dot_general3A_7 {offsets = [872, 0], sizes = [8, 1024], strides = [1, 1]} : vector<1024x1024xf32> to vector<8x1024xf32>
    %slice3A_984 = vector.extract_strided_slice %get3A_10 {offsets = [872, 0], sizes = [8, 1], strides = [1, 1]} : vector<1024x1xf32> to vector<8x1xf32>
    %add3A_985 = vector.broadcast %slice3A_984 : vector<8x1xf32> to vector<8x1024xf32>
    %add3A_986 = arith.addf %slice3A_983, %add3A_985 : vector<8x1024xf32>
    %lt3A_987 = arith.cmpf olt, %add3A_986, %select_n3A_979 : vector<8x1024xf32>
    %select_n3A_988 = arith.select %lt3A_987, %add3A_986, %select_n3A_979 : vector<8x1024xi1>, vector<8x1024xf32>
    %jit3A_989 = arith.constant 1.090000e+02 : f32
    %broadcast_in_dim3A_990 = vector.broadcast %jit3A_989 : f32 to vector<8x1024xf32>
    %select_n3A_991 = arith.select %lt3A_987, %broadcast_in_dim3A_990, %select_n3A_982 : vector<8x1024xi1>, vector<8x1024xf32>
    %slice3A_992 = vector.extract_strided_slice %dot_general3A_7 {offsets = [880, 0], sizes = [8, 1024], strides = [1, 1]} : vector<1024x1024xf32> to vector<8x1024xf32>
    %slice3A_993 = vector.extract_strided_slice %get3A_10 {offsets = [880, 0], sizes = [8, 1], strides = [1, 1]} : vector<1024x1xf32> to vector<8x1xf32>
    %add3A_994 = vector.broadcast %slice3A_993 : vector<8x1xf32> to vector<8x1024xf32>
    %add3A_995 = arith.addf %slice3A_992, %add3A_994 : vector<8x1024xf32>
    %lt3A_996 = arith.cmpf olt, %add3A_995, %select_n3A_988 : vector<8x1024xf32>
    %select_n3A_997 = arith.select %lt3A_996, %add3A_995, %select_n3A_988 : vector<8x1024xi1>, vector<8x1024xf32>
    %jit3A_998 = arith.constant 1.100000e+02 : f32
    %broadcast_in_dim3A_999 = vector.broadcast %jit3A_998 : f32 to vector<8x1024xf32>
    %select_n3A_1000 = arith.select %lt3A_996, %broadcast_in_dim3A_999, %select_n3A_991 : vector<8x1024xi1>, vector<8x1024xf32>
    %slice3A_1001 = vector.extract_strided_slice %dot_general3A_7 {offsets = [888, 0], sizes = [8, 1024], strides = [1, 1]} : vector<1024x1024xf32> to vector<8x1024xf32>
    %slice3A_1002 = vector.extract_strided_slice %get3A_10 {offsets = [888, 0], sizes = [8, 1], strides = [1, 1]} : vector<1024x1xf32> to vector<8x1xf32>
    %add3A_1003 = vector.broadcast %slice3A_1002 : vector<8x1xf32> to vector<8x1024xf32>
    %add3A_1004 = arith.addf %slice3A_1001, %add3A_1003 : vector<8x1024xf32>
    %lt3A_1005 = arith.cmpf olt, %add3A_1004, %select_n3A_997 : vector<8x1024xf32>
    %select_n3A_1006 = arith.select %lt3A_1005, %add3A_1004, %select_n3A_997 : vector<8x1024xi1>, vector<8x1024xf32>
    %jit3A_1007 = arith.constant 1.110000e+02 : f32
    %broadcast_in_dim3A_1008 = vector.broadcast %jit3A_1007 : f32 to vector<8x1024xf32>
    %select_n3A_1009 = arith.select %lt3A_1005, %broadcast_in_dim3A_1008, %select_n3A_1000 : vector<8x1024xi1>, vector<8x1024xf32>
    %slice3A_1010 = vector.extract_strided_slice %dot_general3A_7 {offsets = [896, 0], sizes = [8, 1024], strides = [1, 1]} : vector<1024x1024xf32> to vector<8x1024xf32>
    %slice3A_1011 = vector.extract_strided_slice %get3A_10 {offsets = [896, 0], sizes = [8, 1], strides = [1, 1]} : vector<1024x1xf32> to vector<8x1xf32>
    %add3A_1012 = vector.broadcast %slice3A_1011 : vector<8x1xf32> to vector<8x1024xf32>
    %add3A_1013 = arith.addf %slice3A_1010, %add3A_1012 : vector<8x1024xf32>
    %lt3A_1014 = arith.cmpf olt, %add3A_1013, %select_n3A_1006 : vector<8x1024xf32>
    %select_n3A_1015 = arith.select %lt3A_1014, %add3A_1013, %select_n3A_1006 : vector<8x1024xi1>, vector<8x1024xf32>
    %jit3A_1016 = arith.constant 1.120000e+02 : f32
    %broadcast_in_dim3A_1017 = vector.broadcast %jit3A_1016 : f32 to vector<8x1024xf32>
    %select_n3A_1018 = arith.select %lt3A_1014, %broadcast_in_dim3A_1017, %select_n3A_1009 : vector<8x1024xi1>, vector<8x1024xf32>
    %slice3A_1019 = vector.extract_strided_slice %dot_general3A_7 {offsets = [904, 0], sizes = [8, 1024], strides = [1, 1]} : vector<1024x1024xf32> to vector<8x1024xf32>
    %slice3A_1020 = vector.extract_strided_slice %get3A_10 {offsets = [904, 0], sizes = [8, 1], strides = [1, 1]} : vector<1024x1xf32> to vector<8x1xf32>
    %add3A_1021 = vector.broadcast %slice3A_1020 : vector<8x1xf32> to vector<8x1024xf32>
    %add3A_1022 = arith.addf %slice3A_1019, %add3A_1021 : vector<8x1024xf32>
    %lt3A_1023 = arith.cmpf olt, %add3A_1022, %select_n3A_1015 : vector<8x1024xf32>
    %select_n3A_1024 = arith.select %lt3A_1023, %add3A_1022, %select_n3A_1015 : vector<8x1024xi1>, vector<8x1024xf32>
    %jit3A_1025 = arith.constant 1.130000e+02 : f32
    %broadcast_in_dim3A_1026 = vector.broadcast %jit3A_1025 : f32 to vector<8x1024xf32>
    %select_n3A_1027 = arith.select %lt3A_1023, %broadcast_in_dim3A_1026, %select_n3A_1018 : vector<8x1024xi1>, vector<8x1024xf32>
    %slice3A_1028 = vector.extract_strided_slice %dot_general3A_7 {offsets = [912, 0], sizes = [8, 1024], strides = [1, 1]} : vector<1024x1024xf32> to vector<8x1024xf32>
    %slice3A_1029 = vector.extract_strided_slice %get3A_10 {offsets = [912, 0], sizes = [8, 1], strides = [1, 1]} : vector<1024x1xf32> to vector<8x1xf32>
    %add3A_1030 = vector.broadcast %slice3A_1029 : vector<8x1xf32> to vector<8x1024xf32>
    %add3A_1031 = arith.addf %slice3A_1028, %add3A_1030 : vector<8x1024xf32>
    %lt3A_1032 = arith.cmpf olt, %add3A_1031, %select_n3A_1024 : vector<8x1024xf32>
    %select_n3A_1033 = arith.select %lt3A_1032, %add3A_1031, %select_n3A_1024 : vector<8x1024xi1>, vector<8x1024xf32>
    %jit3A_1034 = arith.constant 1.140000e+02 : f32
    %broadcast_in_dim3A_1035 = vector.broadcast %jit3A_1034 : f32 to vector<8x1024xf32>
    %select_n3A_1036 = arith.select %lt3A_1032, %broadcast_in_dim3A_1035, %select_n3A_1027 : vector<8x1024xi1>, vector<8x1024xf32>
    %slice3A_1037 = vector.extract_strided_slice %dot_general3A_7 {offsets = [920, 0], sizes = [8, 1024], strides = [1, 1]} : vector<1024x1024xf32> to vector<8x1024xf32>
    %slice3A_1038 = vector.extract_strided_slice %get3A_10 {offsets = [920, 0], sizes = [8, 1], strides = [1, 1]} : vector<1024x1xf32> to vector<8x1xf32>
    %add3A_1039 = vector.broadcast %slice3A_1038 : vector<8x1xf32> to vector<8x1024xf32>
    %add3A_1040 = arith.addf %slice3A_1037, %add3A_1039 : vector<8x1024xf32>
    %lt3A_1041 = arith.cmpf olt, %add3A_1040, %select_n3A_1033 : vector<8x1024xf32>
    %select_n3A_1042 = arith.select %lt3A_1041, %add3A_1040, %select_n3A_1033 : vector<8x1024xi1>, vector<8x1024xf32>
    %jit3A_1043 = arith.constant 1.150000e+02 : f32
    %broadcast_in_dim3A_1044 = vector.broadcast %jit3A_1043 : f32 to vector<8x1024xf32>
    %select_n3A_1045 = arith.select %lt3A_1041, %broadcast_in_dim3A_1044, %select_n3A_1036 : vector<8x1024xi1>, vector<8x1024xf32>
    %slice3A_1046 = vector.extract_strided_slice %dot_general3A_7 {offsets = [928, 0], sizes = [8, 1024], strides = [1, 1]} : vector<1024x1024xf32> to vector<8x1024xf32>
    %slice3A_1047 = vector.extract_strided_slice %get3A_10 {offsets = [928, 0], sizes = [8, 1], strides = [1, 1]} : vector<1024x1xf32> to vector<8x1xf32>
    %add3A_1048 = vector.broadcast %slice3A_1047 : vector<8x1xf32> to vector<8x1024xf32>
    %add3A_1049 = arith.addf %slice3A_1046, %add3A_1048 : vector<8x1024xf32>
    %lt3A_1050 = arith.cmpf olt, %add3A_1049, %select_n3A_1042 : vector<8x1024xf32>
    %select_n3A_1051 = arith.select %lt3A_1050, %add3A_1049, %select_n3A_1042 : vector<8x1024xi1>, vector<8x1024xf32>
    %jit3A_1052 = arith.constant 1.160000e+02 : f32
    %broadcast_in_dim3A_1053 = vector.broadcast %jit3A_1052 : f32 to vector<8x1024xf32>
    %select_n3A_1054 = arith.select %lt3A_1050, %broadcast_in_dim3A_1053, %select_n3A_1045 : vector<8x1024xi1>, vector<8x1024xf32>
    %slice3A_1055 = vector.extract_strided_slice %dot_general3A_7 {offsets = [936, 0], sizes = [8, 1024], strides = [1, 1]} : vector<1024x1024xf32> to vector<8x1024xf32>
    %slice3A_1056 = vector.extract_strided_slice %get3A_10 {offsets = [936, 0], sizes = [8, 1], strides = [1, 1]} : vector<1024x1xf32> to vector<8x1xf32>
    %add3A_1057 = vector.broadcast %slice3A_1056 : vector<8x1xf32> to vector<8x1024xf32>
    %add3A_1058 = arith.addf %slice3A_1055, %add3A_1057 : vector<8x1024xf32>
    %lt3A_1059 = arith.cmpf olt, %add3A_1058, %select_n3A_1051 : vector<8x1024xf32>
    %select_n3A_1060 = arith.select %lt3A_1059, %add3A_1058, %select_n3A_1051 : vector<8x1024xi1>, vector<8x1024xf32>
    %jit3A_1061 = arith.constant 1.170000e+02 : f32
    %broadcast_in_dim3A_1062 = vector.broadcast %jit3A_1061 : f32 to vector<8x1024xf32>
    %select_n3A_1063 = arith.select %lt3A_1059, %broadcast_in_dim3A_1062, %select_n3A_1054 : vector<8x1024xi1>, vector<8x1024xf32>
    %slice3A_1064 = vector.extract_strided_slice %dot_general3A_7 {offsets = [944, 0], sizes = [8, 1024], strides = [1, 1]} : vector<1024x1024xf32> to vector<8x1024xf32>
    %slice3A_1065 = vector.extract_strided_slice %get3A_10 {offsets = [944, 0], sizes = [8, 1], strides = [1, 1]} : vector<1024x1xf32> to vector<8x1xf32>
    %add3A_1066 = vector.broadcast %slice3A_1065 : vector<8x1xf32> to vector<8x1024xf32>
    %add3A_1067 = arith.addf %slice3A_1064, %add3A_1066 : vector<8x1024xf32>
    %lt3A_1068 = arith.cmpf olt, %add3A_1067, %select_n3A_1060 : vector<8x1024xf32>
    %select_n3A_1069 = arith.select %lt3A_1068, %add3A_1067, %select_n3A_1060 : vector<8x1024xi1>, vector<8x1024xf32>
    %jit3A_1070 = arith.constant 1.180000e+02 : f32
    %broadcast_in_dim3A_1071 = vector.broadcast %jit3A_1070 : f32 to vector<8x1024xf32>
    %select_n3A_1072 = arith.select %lt3A_1068, %broadcast_in_dim3A_1071, %select_n3A_1063 : vector<8x1024xi1>, vector<8x1024xf32>
    %slice3A_1073 = vector.extract_strided_slice %dot_general3A_7 {offsets = [952, 0], sizes = [8, 1024], strides = [1, 1]} : vector<1024x1024xf32> to vector<8x1024xf32>
    %slice3A_1074 = vector.extract_strided_slice %get3A_10 {offsets = [952, 0], sizes = [8, 1], strides = [1, 1]} : vector<1024x1xf32> to vector<8x1xf32>
    %add3A_1075 = vector.broadcast %slice3A_1074 : vector<8x1xf32> to vector<8x1024xf32>
    %add3A_1076 = arith.addf %slice3A_1073, %add3A_1075 : vector<8x1024xf32>
    %lt3A_1077 = arith.cmpf olt, %add3A_1076, %select_n3A_1069 : vector<8x1024xf32>
    %select_n3A_1078 = arith.select %lt3A_1077, %add3A_1076, %select_n3A_1069 : vector<8x1024xi1>, vector<8x1024xf32>
    %jit3A_1079 = arith.constant 1.190000e+02 : f32
    %broadcast_in_dim3A_1080 = vector.broadcast %jit3A_1079 : f32 to vector<8x1024xf32>
    %select_n3A_1081 = arith.select %lt3A_1077, %broadcast_in_dim3A_1080, %select_n3A_1072 : vector<8x1024xi1>, vector<8x1024xf32>
    %slice3A_1082 = vector.extract_strided_slice %dot_general3A_7 {offsets = [960, 0], sizes = [8, 1024], strides = [1, 1]} : vector<1024x1024xf32> to vector<8x1024xf32>
    %slice3A_1083 = vector.extract_strided_slice %get3A_10 {offsets = [960, 0], sizes = [8, 1], strides = [1, 1]} : vector<1024x1xf32> to vector<8x1xf32>
    %add3A_1084 = vector.broadcast %slice3A_1083 : vector<8x1xf32> to vector<8x1024xf32>
    %add3A_1085 = arith.addf %slice3A_1082, %add3A_1084 : vector<8x1024xf32>
    %lt3A_1086 = arith.cmpf olt, %add3A_1085, %select_n3A_1078 : vector<8x1024xf32>
    %select_n3A_1087 = arith.select %lt3A_1086, %add3A_1085, %select_n3A_1078 : vector<8x1024xi1>, vector<8x1024xf32>
    %jit3A_1088 = arith.constant 1.200000e+02 : f32
    %broadcast_in_dim3A_1089 = vector.broadcast %jit3A_1088 : f32 to vector<8x1024xf32>
    %select_n3A_1090 = arith.select %lt3A_1086, %broadcast_in_dim3A_1089, %select_n3A_1081 : vector<8x1024xi1>, vector<8x1024xf32>
    %slice3A_1091 = vector.extract_strided_slice %dot_general3A_7 {offsets = [968, 0], sizes = [8, 1024], strides = [1, 1]} : vector<1024x1024xf32> to vector<8x1024xf32>
    %slice3A_1092 = vector.extract_strided_slice %get3A_10 {offsets = [968, 0], sizes = [8, 1], strides = [1, 1]} : vector<1024x1xf32> to vector<8x1xf32>
    %add3A_1093 = vector.broadcast %slice3A_1092 : vector<8x1xf32> to vector<8x1024xf32>
    %add3A_1094 = arith.addf %slice3A_1091, %add3A_1093 : vector<8x1024xf32>
    %lt3A_1095 = arith.cmpf olt, %add3A_1094, %select_n3A_1087 : vector<8x1024xf32>
    %select_n3A_1096 = arith.select %lt3A_1095, %add3A_1094, %select_n3A_1087 : vector<8x1024xi1>, vector<8x1024xf32>
    %jit3A_1097 = arith.constant 1.210000e+02 : f32
    %broadcast_in_dim3A_1098 = vector.broadcast %jit3A_1097 : f32 to vector<8x1024xf32>
    %select_n3A_1099 = arith.select %lt3A_1095, %broadcast_in_dim3A_1098, %select_n3A_1090 : vector<8x1024xi1>, vector<8x1024xf32>
    %slice3A_1100 = vector.extract_strided_slice %dot_general3A_7 {offsets = [976, 0], sizes = [8, 1024], strides = [1, 1]} : vector<1024x1024xf32> to vector<8x1024xf32>
    %slice3A_1101 = vector.extract_strided_slice %get3A_10 {offsets = [976, 0], sizes = [8, 1], strides = [1, 1]} : vector<1024x1xf32> to vector<8x1xf32>
    %add3A_1102 = vector.broadcast %slice3A_1101 : vector<8x1xf32> to vector<8x1024xf32>
    %add3A_1103 = arith.addf %slice3A_1100, %add3A_1102 : vector<8x1024xf32>
    %lt3A_1104 = arith.cmpf olt, %add3A_1103, %select_n3A_1096 : vector<8x1024xf32>
    %select_n3A_1105 = arith.select %lt3A_1104, %add3A_1103, %select_n3A_1096 : vector<8x1024xi1>, vector<8x1024xf32>
    %jit3A_1106 = arith.constant 1.220000e+02 : f32
    %broadcast_in_dim3A_1107 = vector.broadcast %jit3A_1106 : f32 to vector<8x1024xf32>
    %select_n3A_1108 = arith.select %lt3A_1104, %broadcast_in_dim3A_1107, %select_n3A_1099 : vector<8x1024xi1>, vector<8x1024xf32>
    %slice3A_1109 = vector.extract_strided_slice %dot_general3A_7 {offsets = [984, 0], sizes = [8, 1024], strides = [1, 1]} : vector<1024x1024xf32> to vector<8x1024xf32>
    %slice3A_1110 = vector.extract_strided_slice %get3A_10 {offsets = [984, 0], sizes = [8, 1], strides = [1, 1]} : vector<1024x1xf32> to vector<8x1xf32>
    %add3A_1111 = vector.broadcast %slice3A_1110 : vector<8x1xf32> to vector<8x1024xf32>
    %add3A_1112 = arith.addf %slice3A_1109, %add3A_1111 : vector<8x1024xf32>
    %lt3A_1113 = arith.cmpf olt, %add3A_1112, %select_n3A_1105 : vector<8x1024xf32>
    %select_n3A_1114 = arith.select %lt3A_1113, %add3A_1112, %select_n3A_1105 : vector<8x1024xi1>, vector<8x1024xf32>
    %jit3A_1115 = arith.constant 1.230000e+02 : f32
    %broadcast_in_dim3A_1116 = vector.broadcast %jit3A_1115 : f32 to vector<8x1024xf32>
    %select_n3A_1117 = arith.select %lt3A_1113, %broadcast_in_dim3A_1116, %select_n3A_1108 : vector<8x1024xi1>, vector<8x1024xf32>
    %slice3A_1118 = vector.extract_strided_slice %dot_general3A_7 {offsets = [992, 0], sizes = [8, 1024], strides = [1, 1]} : vector<1024x1024xf32> to vector<8x1024xf32>
    %slice3A_1119 = vector.extract_strided_slice %get3A_10 {offsets = [992, 0], sizes = [8, 1], strides = [1, 1]} : vector<1024x1xf32> to vector<8x1xf32>
    %add3A_1120 = vector.broadcast %slice3A_1119 : vector<8x1xf32> to vector<8x1024xf32>
    %add3A_1121 = arith.addf %slice3A_1118, %add3A_1120 : vector<8x1024xf32>
    %lt3A_1122 = arith.cmpf olt, %add3A_1121, %select_n3A_1114 : vector<8x1024xf32>
    %select_n3A_1123 = arith.select %lt3A_1122, %add3A_1121, %select_n3A_1114 : vector<8x1024xi1>, vector<8x1024xf32>
    %jit3A_1124 = arith.constant 1.240000e+02 : f32
    %broadcast_in_dim3A_1125 = vector.broadcast %jit3A_1124 : f32 to vector<8x1024xf32>
    %select_n3A_1126 = arith.select %lt3A_1122, %broadcast_in_dim3A_1125, %select_n3A_1117 : vector<8x1024xi1>, vector<8x1024xf32>
    %slice3A_1127 = vector.extract_strided_slice %dot_general3A_7 {offsets = [1000, 0], sizes = [8, 1024], strides = [1, 1]} : vector<1024x1024xf32> to vector<8x1024xf32>
    %slice3A_1128 = vector.extract_strided_slice %get3A_10 {offsets = [1000, 0], sizes = [8, 1], strides = [1, 1]} : vector<1024x1xf32> to vector<8x1xf32>
    %add3A_1129 = vector.broadcast %slice3A_1128 : vector<8x1xf32> to vector<8x1024xf32>
    %add3A_1130 = arith.addf %slice3A_1127, %add3A_1129 : vector<8x1024xf32>
    %lt3A_1131 = arith.cmpf olt, %add3A_1130, %select_n3A_1123 : vector<8x1024xf32>
    %select_n3A_1132 = arith.select %lt3A_1131, %add3A_1130, %select_n3A_1123 : vector<8x1024xi1>, vector<8x1024xf32>
    %jit3A_1133 = arith.constant 1.250000e+02 : f32
    %broadcast_in_dim3A_1134 = vector.broadcast %jit3A_1133 : f32 to vector<8x1024xf32>
    %select_n3A_1135 = arith.select %lt3A_1131, %broadcast_in_dim3A_1134, %select_n3A_1126 : vector<8x1024xi1>, vector<8x1024xf32>
    %slice3A_1136 = vector.extract_strided_slice %dot_general3A_7 {offsets = [1008, 0], sizes = [8, 1024], strides = [1, 1]} : vector<1024x1024xf32> to vector<8x1024xf32>
    %slice3A_1137 = vector.extract_strided_slice %get3A_10 {offsets = [1008, 0], sizes = [8, 1], strides = [1, 1]} : vector<1024x1xf32> to vector<8x1xf32>
    %add3A_1138 = vector.broadcast %slice3A_1137 : vector<8x1xf32> to vector<8x1024xf32>
    %add3A_1139 = arith.addf %slice3A_1136, %add3A_1138 : vector<8x1024xf32>
    %lt3A_1140 = arith.cmpf olt, %add3A_1139, %select_n3A_1132 : vector<8x1024xf32>
    %select_n3A_1141 = arith.select %lt3A_1140, %add3A_1139, %select_n3A_1132 : vector<8x1024xi1>, vector<8x1024xf32>
    %jit3A_1142 = arith.constant 1.260000e+02 : f32
    %broadcast_in_dim3A_1143 = vector.broadcast %jit3A_1142 : f32 to vector<8x1024xf32>
    %select_n3A_1144 = arith.select %lt3A_1140, %broadcast_in_dim3A_1143, %select_n3A_1135 : vector<8x1024xi1>, vector<8x1024xf32>
    %slice3A_1145 = vector.extract_strided_slice %dot_general3A_7 {offsets = [1016, 0], sizes = [8, 1024], strides = [1, 1]} : vector<1024x1024xf32> to vector<8x1024xf32>
    %slice3A_1146 = vector.extract_strided_slice %get3A_10 {offsets = [1016, 0], sizes = [8, 1], strides = [1, 1]} : vector<1024x1xf32> to vector<8x1xf32>
    %add3A_1147 = vector.broadcast %slice3A_1146 : vector<8x1xf32> to vector<8x1024xf32>
    %add3A_1148 = arith.addf %slice3A_1145, %add3A_1147 : vector<8x1024xf32>
    %lt3A_1149 = arith.cmpf olt, %add3A_1148, %select_n3A_1141 : vector<8x1024xf32>
    %select_n3A_1150 = arith.select %lt3A_1149, %add3A_1148, %select_n3A_1141 : vector<8x1024xi1>, vector<8x1024xf32>
    %jit3A_1151 = arith.constant 1.270000e+02 : f32
    %broadcast_in_dim3A_1152 = vector.broadcast %jit3A_1151 : f32 to vector<8x1024xf32>
    %select_n3A_1153 = arith.select %lt3A_1149, %broadcast_in_dim3A_1152, %select_n3A_1144 : vector<8x1024xi1>, vector<8x1024xf32>
    %iota3A = tpu.iota {dimensions = array<i32: 0>} : vector<8x1024xi32>
    %convert_element_type3A_1154 = arith.sitofp %iota3A : vector<8x1024xi32> to vector<8x1024xf32>
    %mul3A = arith.constant 8.000000e+00 : f32
    %mul3A_1155 = vector.broadcast %mul3A : f32 to vector<8x1024xf32>
    %mul3A_1156 = arith.mulf %select_n3A_1153, %mul3A_1155 : vector<8x1024xf32>
    %add3A_1157 = arith.addf %mul3A_1156, %convert_element_type3A_1154 : vector<8x1024xf32>
    %reduce_min3A = arith.constant dense<0x7F800000> : vector<1024xf32>
    %reduce_min3A_1158 = vector.multi_reduction <minimumf>, %select_n3A_1150, %reduce_min3A [0] : vector<8x1024xf32> to vector<1024xf32>
    %broadcast_in_dim3A_1159 = vector.shape_cast %reduce_min3A_1158 : vector<1024xf32> to vector<1x1024xf32>
    %eq3A_1160 = vector.broadcast %broadcast_in_dim3A_1159 : vector<1x1024xf32> to vector<8x1024xf32>
    %eq3A_1161 = arith.cmpf oeq, %select_n3A_1150, %eq3A_1160 : vector<8x1024xf32>
    %jit3A_1162 = arith.constant 1.024000e+03 : f32
    %broadcast_in_dim3A_1163 = vector.broadcast %jit3A_1162 : f32 to vector<8x1024xf32>
    %select_n3A_1164 = arith.select %eq3A_1161, %add3A_1157, %broadcast_in_dim3A_1163 : vector<8x1024xi1>, vector<8x1024xf32>
    %reduce_min3A_1165 = arith.constant dense<0x7F800000> : vector<1024xf32>
    %reduce_min3A_1166 = vector.multi_reduction <minimumf>, %select_n3A_1164, %reduce_min3A_1165 [0] : vector<8x1024xf32> to vector<1024xf32>
    %convert_element_type3A_1167 = arith.fptosi %reduce_min3A_1166 : vector<1024xf32> to vector<1024xi32>
    %swap3A = arith.constant 0 : index
    %swap3A_1168 = vector.load %arg3[%swap3A] : memref<1024xi32, #tpu.memory_space<vmem>>, vector<1024xi32>
    tpu.vector_store %arg3[%swap3A], %convert_element_type3A_1167 {strides = array<i32>} : memref<1024xi32, #tpu.memory_space<vmem>>, vector<1024xi32>,
    %get3A_1169 = arith.constant 0 : index
    %get3A_1170 = memref.load %arg4[%get3A_1169] : memref<1xf32, #tpu.memory_space<smem>>
    %reduce_sum3A = vector.shape_cast %broadcast_in_dim3A_1159 : vector<1x1024xf32> to vector<1x1x1024xf32>
    %reduce_sum3A_1171 = arith.constant dense<0.000000e+00> : vector<1xf32>
    %reduce_sum3A_1172 = vector.multi_reduction <add>, %reduce_sum3A, %reduce_sum3A_1171 [1, 2] : vector<1x1x1024xf32> to vector<1xf32>
    %reduce_sum3A_1173 = vector.shape_cast %reduce_sum3A_1172 : vector<1xf32> to vector<1x1x1xf32>
    %reduce_sum3A_1174 = vector.extract %reduce_sum3A_1173[0, 0, 0] : f32 from vector<1x1x1xf32>
    %mul3A_1175 = arith.mulf %get3A_3, %get3A_3 : vector<1024x64xf32>
    %reduce_sum3A_1176 = vector.shape_cast %mul3A_1175 : vector<1024x64xf32> to vector<1x1024x64xf32>
    %reduce_sum3A_1177 = arith.constant dense<0.000000e+00> : vector<1xf32>
    %reduce_sum3A_1178 = vector.multi_reduction <add>, %reduce_sum3A_1176, %reduce_sum3A_1177 [1, 2] : vector<1x1024x64xf32> to vector<1xf32>
    %reduce_sum3A_1179 = vector.shape_cast %reduce_sum3A_1178 : vector<1xf32> to vector<1x1x1xf32>
    %reduce_sum3A_1180 = vector.extract %reduce_sum3A_1179[0, 0, 0] : f32 from vector<1x1x1xf32>
    %add3A_1181 = arith.addf %reduce_sum3A_1174, %reduce_sum3A_1180 : f32
    %add3A_1182 = arith.addf %get3A_1170, %add3A_1181 : f32
    %swap3A_1183 = arith.constant 0 : index
    %swap3A_1184 = memref.load %arg4[%swap3A_1183] : memref<1xf32, #tpu.memory_space<smem>>
    memref.store %add3A_1182, %arg4[%swap3A_1183] : memref<1xf32, #tpu.memory_space<smem>>
    return
  }
  func.func @transform_0(%arg0: i32) -> (i32, i32) {
    %c0_i32 = arith.constant 0 : i32
    %c0_i32_0 = arith.constant 0 : i32
    return %arg0, %c0_i32 : i32, i32
  }
  func.func @transform_1(%arg0: i32) -> (i32, i32) {
    %c0_i32 = arith.constant 0 : i32
    %c0_i32_0 = arith.constant 0 : i32
    %c0_i32_1 = arith.constant 0 : i32
    return %c0_i32, %c0_i32_0 : i32, i32
  }
  func.func @transform_2(%arg0: i32) -> i32 {
    %c0_i32 = arith.constant 0 : i32
    return %arg0 : i32
  }
  func.func @transform_3(%arg0: i32) -> i32 {
    %c0_i32 = arith.constant 0 : i32
    %c0_i32_0 = arith.constant 0 : i32
    return %c0_i32 : i32
  }
}

</mosaic_0001>

<sc_bundles>
// kernel: kernel.4.cloned.1.call-start
scs
__scs_entry_jumppad:
0x0: {  	(pc) =	sbr.rel $0x88, $3  }
0x1: {  	(tag) =	ssettag $0x0;
	lr =	simm.s32 $0x1  }
0x2: {  	[smem:$0x3F9F] =	sst lr;
	_ =	strace $0xD0000000  }
0x3: {  	_ = 	snop  }
0x4: {  	_ = 	snop  }
0x5: {  	_ = 	snop  }
0x6: {  	_ = 	snop  }
0x7: {  	_ = 	snop  }
__scs_overlays_trampoline_lowered:
0x8: {  	[smem:$0x3FAE] =	sst s0  }
0x9: {  	[smem:$0x3FAF] =	sst s1  }
0xa: {  	[smem:$0x3FB0] =	sst s2  }
0xb: {  	[smem:$0x3FB1] =	sst s3  }
0xc: {  	[smem:$0x3FB2] =	sst s4  }
0xd: {  	[smem:$0x3FB3] =	sst s5  }
0xe: {  	[smem:$0x3FB4] =	sst s6  }
0xf: {  	[smem:$0x3FB5] =	sst s7  }
0x10: {  	[smem:$0x3FB6] =	sst s8  }
0x11: {  	[smem:$0x3FB7] =	sst s9;
	s0 =	simm.s32 @!p0 $0x0  }
0x12: {  	s1 =	sld [smem:$0x3F9D];
	s0 =	simm.s32 @p0 $0x1  }
0x13: {  	[smem:$0x3FB8] =	sst s0;
	s0 =	simm.s32 @!p1 $0x0  }
0x14: {  	s2 =	sld [smem:$0x3F9C];
	s0 =	simm.s32 @p1 $0x1  }
0x15: {  	[smem:$0x3FB9] =	sst s0;
	s0 =	simm.s32 @!p2 $0x0  }
0x16: {  	s3 =	sld [smem:$0x3FDB];
	s0 =	simm.s32 @p2 $0x1  }
0x17: {  	s4 =	simm.s32 $0x1BF5;
	[smem:$0x3FBB] =	sst s0  }
0x18: {  	s0 =	sld [smem:$0x3F9E];
	_ =	swait.ge [sflag:s4], $0x0  }
0x19: {  	s7 =	sld [smem:$0x3F9F]  }
0x1a: {  	s8 =	sadd.s32 $0xFFFFE003, lr  }
0x1b: {  	s9 =	sadd.s32 $0xFFFFFEF7, lr;
	s5 =	simm.s32 $0xFFFFFFFF;
	p2 =	slt.u32 s8, $0xFFFFF086  }
0x1c: {  	p1 =	slt.u32 s9, $0xF7A;
	s5 =	simm.s32 @!p2 $0x0  }
0x1d: {  	s5 =	simm.s32 @p1 $0x1;
	p0 =	seq.s32 s7, s2  }
0x1e: {  	s7 =	smul.u32 @!p0 $0xF7A, s2;
	p2 =	seq.s32 @!p0 s5, $0x0  }
0x1f: {  	s9 =	smul.u32 $0xF7A, s1;
	s8 =	simm.s32 @!p0 $0x1BF5;
	p2 =	por !p2, p0  }
0x20: {  	[sflag:s8] =	ssyncset.s32 @!p0 $0xFFFFF086;
	s6 =	sadd.s32 @!p0 s3, s7;
	s7 =	simm.s32 @!p0 $0x108  }
0x21: {  	s3 =	sadd.s32 s3, s9;
	s6 =	sadd.s32 @!p0 $0x88, s6;
	s7 =	simm.s32 @p2 $0x1082  }
0x22: {  	[simem:s7], [sflag:s8] =	dma.local @!p0 [hbm:s6], $0xF7A  }
0x23: {  	s9 =	sor.u32 $0xD0000000, s2;
	s6 =	simm.s32 $0x108;
	_ =	swait.ge @!p0 [sflag:s8], $0x0  }
0x24: {  	s3 =	sadd.s32 $0x88, s3;
	s6 =	simm.s32 @!p1 $0x1082;
	[sflag:s4] =	ssyncset.s32 $0xFFFFF086  }
0x25: {  	[simem:s6], [sflag:s4] =	dma.local [hbm:s3], $0xF7A  }
0x26: {  	[smem:$0x3F9F] =	sst s1;
	(tag) =	ssettag s2;
	_ =	strace s9  }
0x27: {  	s1 =	sld [smem:$0x3FAF]  }
0x28: {  	s2 =	sld [smem:$0x3FB0]  }
0x29: {  	s4 =	sld [smem:$0x3FB2]  }
0x2a: {  	p0 =	seq.s32 s5, $0x0;
	s5 =	sld [smem:$0x3FB3]  }
0x2b: {  	s6 =	sld [smem:$0x3FB4]  }
0x2c: {  	s7 =	sld [smem:$0x3FB5]  }
0x2d: {  	s3 =	simm.s32 $0x108;
	s8 =	sld [smem:$0x3FB6]  }
0x2e: {  	s3 =	simm.s32 @!p0 $0x1082;
	s9 =	sld [smem:$0x3FB7]  }
0x2f: {  	lr =	sadd.s32 s0, s3;
	s0 =	sld [smem:$0x3FAE]  }
0x30: {  	s3 =	sld [smem:$0x3FB1]  }
0x31: {  	[smem:$0x3FBA] =	sst s10  }
0x32: {  	s10 =	sld [smem:$0x3FB8];
	_ =	sdelay $0x3  }
0x33: {  	p0 =	seq.s32 s10, $0x1;
	s10 =	sld [smem:$0x3FBA];
	_ =	sdelay $0x3  }
0x34: {  	[smem:$0x3FBA] =	sst s10  }
0x35: {  	s10 =	sld [smem:$0x3FB9];
	_ =	sdelay $0x3  }
0x36: {  	p1 =	seq.s32 s10, $0x1;
	s10 =	sld [smem:$0x3FBA];
	_ =	sdelay $0x3  }
0x37: {  	[smem:$0x3FBA] =	sst s10  }
0x38: {  	s10 =	sld [smem:$0x3FBB]  }
0x39: {  	_ = 	snop;
	(pc) =	sbr.ind lr, $3  }
0x3a: {  	_ = 	snop  }
0x3b: {  	_ = 	snop  }
0x3c: {  	p2 =	seq.s32 s10, $0x1;
	s10 =	sld [smem:$0x3FBA]  }
0x3d: {  	_ =	shalt  }
0x3e: {  	_ =	shalt  }
0x3f: {  	_ =	shalt  }
0x40: {  	_ =	shalt  }
0x41: {  	_ =	shalt  }
0x42: {  	_ =	shalt  }
0x43: {  	_ =	shalt  }
0x44: {  	_ =	shalt  }
0x45: {  	_ =	shalt  }
0x46: {  	_ =	shalt  }
0x47: {  	_ =	shalt  }
0x48: {  	_ =	shalt  }
0x49: {  	_ =	shalt  }
0x4a: {  	_ =	shalt  }
0x4b: {  	_ =	shalt  }
0x4c: {  	_ =	shalt  }
0x4d: {  	_ =	shalt  }
0x4e: {  	_ =	shalt  }
0x4f: {  	_ =	shalt  }
0x50: {  	_ =	shalt  }
0x51: {  	_ =	shalt  }
0x52: {  	_ =	shalt  }
0x53: {  	_ =	shalt  }
0x54: {  	_ =	shalt  }
0x55: {  	_ =	shalt  }
0x56: {  	_ =	shalt  }
0x57: {  	_ =	shalt  }
0x58: {  	_ =	shalt  }
0x59: {  	_ =	shalt  }
0x5a: {  	_ =	shalt  }
0x5b: {  	_ =	shalt  }
0x5c: {  	_ =	shalt  }
0x5d: {  	_ =	shalt  }
0x5e: {  	_ =	shalt  }
0x5f: {  	_ =	shalt  }
0x60: {  	_ =	shalt  }
0x61: {  	_ =	shalt  }
0x62: {  	_ =	shalt  }
0x63: {  	_ =	shalt  }
0x64: {  	_ =	shalt  }
0x65: {  	_ =	shalt  }
0x66: {  	_ =	shalt  }
0x67: {  	_ =	shalt  }
0x68: {  	_ =	shalt  }
0x69: {  	_ =	shalt  }
0x6a: {  	_ =	shalt  }
0x6b: {  	_ =	shalt  }
0x6c: {  	_ =	shalt  }
0x6d: {  	_ =	shalt  }
0x6e: {  	_ =	shalt  }
0x6f: {  	_ =	shalt  }
0x70: {  	_ =	shalt  }
0x71: {  	_ =	shalt  }
0x72: {  	_ =	shalt  }
0x73: {  	_ =	shalt  }
0x74: {  	_ =	shalt  }
0x75: {  	_ =	shalt  }
0x76: {  	_ =	shalt  }
0x77: {  	_ =	shalt  }
0x78: {  	_ =	shalt  }
0x79: {  	_ =	shalt  }
0x7a: {  	_ =	shalt  }
0x7b: {  	_ =	shalt  }
0x7c: {  	_ =	shalt  }
0x7d: {  	_ =	shalt  }
0x7e: {  	_ =	shalt  }
0x7f: {  	_ =	shalt  }
0x80: {  	_ =	shalt  }
0x81: {  	_ =	shalt  }
0x82: {  	_ =	shalt  }
0x83: {  	_ =	shalt  }
0x84: {  	_ =	shalt  }
0x85: {  	_ =	shalt  }
0x86: {  	_ =	shalt  }
0x87: {  	_ =	shalt  }
.Lfunc_end0:
.L_simem_size_0:
called_computation_lowered:
.L_overlay_start_0:
0x88: {  	s2 =	sld [smem:$0x3FD9]  }
0x89: {  	s3 =	sld [smem:$0x3FFE];
	_ =	sdelay $0x1  }
0x8a: {  	s1 =	srdreg.scid  }
0x8b: {  	s0 =	sand.u32 $0x1, s1  }
0x8c: {  	s14 =	sshll.u32 s0, $0xA;
	s2 =	sadd.s32 s3, s2  }
0x8d: {  	s2 =	sadd.s32 s2, s14  }
0x8e: {  	[smem:$0x3FC6] =	sst s2  }
0x8f: {  	_ = 	snop  }
0x90: {  	s2 =	sld [smem:$0x3FD0];
	_ =	sdelay $0x2  }
0x91: {  	s15 =	simm.s32 $0xA;
	s4 =	simm.s32 $0x10  }
0x92: {  	[smem:s4], [sflag:s15] =	dma.local [hbm:s2], $0x1  }
0x93: {  	_ =	swait.eq [sflag:s15], $0x1  }
0x94: {  	[sflag:s15] =	ssyncset.done $0x0  }
0x95: {  	s16 =	sld [smem:$0x11];
	[sflag:s15] =	ssyncadd.s32 $0xFFFFFFFF  }
0x96: {  	s17 =	sld [smem:$0x12];
	(tm) =	ssettm $0x1  }
0x97: {  	s18 =	sld [smem:$0x3FFB];
	_ =	sdelay $0x3  }
0x98: {  	_ =	strace s18  }
0x99: {  	s4 =	sld [smem:$0x3FFC];
	_ =	sdelay $0x3  }
0x9a: {  	_ =	strace s4  }
0x9b: {  	s4 =	sld [smem:$0x3FFD];
	_ =	sdelay $0x3  }
0x9c: {  	_ =	strace s4  }
0x9d: {  	_ =	strace $0x8FFFFFFF  }
0x9e: {  	s19 =	sld [smem:$0x3FDB];
	_ =	sdelay $0x1  }
0x9f: {  	s5 =	simm.s32 $_scs_section_size  }
0xa0: {  	s6 =	simm.s32 $_size__tile_overlayer_lowered;
	s7 =	simm.s32 $_tile_overlayer_lowered  }
0xa1: {  	s22 =	simm.s32 $0x1BFF;
	s21 =	sshll.u32 s7, $0x1;
	s4 =	sadd.s32 s5, s19  }
0xa2: {  	s8 =	simm.s32 $0x0;
	s20 =	sshll.u32 s6, $0x1;
	s6 =	sadd.s32 s21, s4  }
0xa3: {  	[timem:s8], [sflag:s22] =	dma.local [hbm:s6], s20  }
0xa4: {  	_ =	swait.ge [sflag:s22], s20  }
0xa5: {  	s5 =	ssub.s32 $0x0, s20;
	[sflag:s22] =	ssyncset.done $0x0  }
0xa6: {  	[sflag:s22] =	ssyncadd.s32 s5;
	_ =	sdelay $0x1  }
0xa7: {  	s23 =	simm.s32 $0x1B8B  }
0xa8: {  	_ =	swait.ge [sflag:s23], $0x1  }
0xa9: {  	[sflag:s23] =	ssyncset.done $0x0  }
0xaa: {  	s25 =	simm.s32 $0x1B8E;
	s24 =	sld [smem:$0x3FFE];
	[sflag:s23] =	ssyncadd.s32 $0xFFFFFFFF  }
0xab: {  	s26 =	simm.s32 $execute0_lowered;
	[smem:$0x3FD2] =	sst s25  }
0xac: {  	s6 =	sshll.u32 s26, $0x1;
	_ =	strace $0x80000046;
	[dreg:$0x1] =	wrdreg $0xFFFFFFFF  }
0xad: {  	s28 =	simm.s32 $_size_execute0_lowered;
	s4 =	sadd.s32 s4, s6;
	[dreg:$0x0] =	wrdreg $0x0  }
0xae: {  	s6 =	sshll.u32 s28, $0x1;
	[dreg:$0x2] =	wrdreg s4  }
0xaf: {  	[dreg:$0x3] =	wrdreg s6  }
0xb0: {  	[dreg:$0x4] =	wrdreg $0xC0  }
0xb1: {  	_ =	task [dreg:s8], $0x5FFFF  }
0xb2: {  	[dreg:$0x1] =	wrdreg $0xFFFFFFFF  }
0xb3: {  	[dreg:$0x0] =	wrdreg $0x60  }
0xb4: {  	[dreg:$0x2] =	wrdreg s16  }
0xb5: {  	[dreg:$0x3] =	wrdreg s17  }
0xb6: {  	[dreg:$0x4] =	wrdreg s24  }
0xb7: {  	[dreg:$0x5] =	wrdreg $0x9  }
0xb8: {  	_ =	task.clear_ibuf [dreg:s8], $0x6FFFF;
	_ =	strace $0x90000046  }
0xb9: {  	s29 =	simm.s32 $0x9;
	_ =	strace $0x80000048  }
0xba: {  	_ =	swait.ge [sflag:s29], $0x1  }
0xbb: {  	[sflag:s29] =	ssyncadd.s32 $0xFFFFFFFF  }
0xbc: {  	_ =	strace $0x90000048  }
0xbd: {  	_ =	sfence  }
0xbe: {  	s30 =	sld [smem:$0x0];
	_ =	sdelay $0x2  }
0xbf: {  	s31 =	sshll.u32 s1, $0xD;
	s1 =	sshrl.u32 s1, $0x2  }
0xc0: {  	s3 =	sand.u32 $0x4000, s31;
	s1 =	sadd.s32 s1, s30  }
0xc1: {  	s0 =	sor.u32 s3, s0;
	s1 =	sshll.u32 s1, $0x11  }
0xc2: {  	s0 =	sor.u32 s1, s0  }
0xc3: {  	s0 =	sadd.s32 $0x8F2B, s0  }
0xc4: {  	[sflag:s0] =	ssyncadd.remote.s32 $0x1  }
0xc5: {  	_ =	sfence.sel $0xFFFF  }
0xc6: {  	[dreg:$0x0] =	wrdreg $0xFFFFFFFF;
	(pc) =	sbr.abs _section_cstart, $3  }
0xc7: {  	[dreg:$0x1] =	wrdreg $0xFFFFFFFF  }
0xc8: {  	_ =	task.clear_ibuf [dreg:s8], $0x2FFFF;
	_ =	strace $0x9FFFFFFF  }
0xc9: {  	(tm) =	ssettm $0x7FFFFFFF  }
tec
execute0_lowered:
.L_overlay_start_1:
0x0: {  	(tag) =	ssettag $0x1  }
0x1: {  	s1 =	srdreg.scid  }
0x2: {  	s0 =	stileid.u32;
	s1 =	sand.u32 $0x1, s1  }
0x3: {  	s2 =	rddreg [dreg:$0x0];
	s6 =	sshll.u32 s0, $0xB;
	s7 =	sshll.u32 s1, $0xA  }
0x4: {  	s4 =	rddreg [dreg:$0x1];
	s6 =	sor.u32 s7, s6  }
0x5: {  	s5 =	rddreg [dreg:$0x2];
	s3 =	simm.s32 $0x0;
	s7 =	sshrl.u32 s6, $0x3  }
0x6: {  	[smem:$0x7FF] =	sst s3;
	s6 =	sshll.u32 s6, $0x4;
	s4 =	sadd.s32 s4, s7  }
0x7: {  	_ =	strace $0x80000047;
	s31 =	sadd.s32 s6, s5;
	[dreg:$0x4] =	wrdreg s4  }
0x8: {  	s26 =	sadd.s32 $0xE00, s31;
	s25 =	rddreg [dreg:$0x4]  }
0x9: {  	s4 =	simm.s32 $0x9;
	[dreg:$0x5] =	wrdreg s26  }
0xa: {  	[tilespmem:s3], [sflag:$0x9] =	stream.linear.gather [hbm4b:s25+s3], $0x400, $0x38;
	[tilespmem:$0x10400] =	vst v63  }
0xb: {  	_ =	swait.ge [sflag:s4], $0x400  }
0xc: {  	[sflag:s4] =	ssyncset.done $0x0  }
0xd: {  	s5 =	simm.s32 $0x80;
	s6 =	simm.s32 $0x400;
	[sflag:s4] =	ssyncadd.s32 $0xFFFFFC00  }
0xe: {  	[tilespmem:s6], [sflag:$0x1] =	stream.indirect.gather [hbm4b:s2+s5], $0x80, s3, s5, $0xb8;
	[tilespmem:$0x10400] =	vst v63  }
0xf: {  	s7 =	simm.s32 $0x4400  }
0x10: {  	[tilespmem:s7], [sflag:$0x2] =	stream.indirect.gather [hbm4b:s2+s5], $0x80, s5, s5, $0xb8;
	[tilespmem:$0x10400] =	vst v63  }
0x11: {  	s8 =	simm.s32 $0x100;
	s9 =	simm.s32 $0x8400;
	s10 =	simm.s32 $0x1  }
0x12: {  	[tilespmem:s9], [sflag:$0x3] =	stream.indirect.gather [hbm4b:s2+s5], $0x80, s8, s5, $0xb8;
	[tilespmem:$0x10400] =	vst v63  }
0x13: {  	_ =	swait.ge [sflag:s10], $0x4000  }
0x14: {  	[sflag:s10] =	ssyncset.done $0x0  }
0x15: {  	s11 =	rddreg [dreg:$0x5];
	[sflag:s10] =	ssyncadd.s32 $0xFFFFC000  }
0x16: {  	[hbm4b:s11+s3] =	stream.linear.scatter [tilespmem:s6], [sflag:$0x5], $0x4000, $0x38;
	[tilespmem:$0x10400] =	vst v63  }
0x17: {  	s12 =	simm.s32 $0xC400;
	s13 =	simm.s32 $0x2;
	s11 =	simm.s32 $0x180  }
0x18: {  	[tilespmem:s12], [sflag:$0x4] =	stream.indirect.gather [hbm4b:s2+s5], $0x80, s11, s5, $0xb8;
	[tilespmem:$0x10400] =	vst v63  }
0x19: {  	_ =	swait.ge [sflag:s13], $0x4000  }
0x1a: {  	[sflag:s13] =	ssyncset.done $0x0  }
0x1b: {  	s15 =	simm.s32 $0x5;
	s14 =	sadd.s32 $0x1600, s31;
	[sflag:s13] =	ssyncadd.s32 $0xFFFFC000  }
0x1c: {  	[hbm4b:s14+s3] =	stream.linear.scatter [tilespmem:s7], [sflag:$0x6], $0x4000, $0x38;
	[tilespmem:$0x10400] =	vst v63  }
0x1d: {  	_ =	swait.ge [sflag:s15], $0x4000  }
0x1e: {  	[sflag:s15] =	ssyncset.done $0x0  }
0x1f: {  	s16 =	simm.s32 $0x200;
	s17 =	simm.s32 $0x3;
	[sflag:s15] =	ssyncadd.s32 $0xFFFFC000  }
0x20: {  	[tilespmem:s6], [sflag:$0x1] =	stream.indirect.gather [hbm4b:s2+s5], $0x80, s16, s5, $0xb8;
	[tilespmem:$0x10400] =	vst v63  }
0x21: {  	_ =	swait.ge [sflag:s17], $0x4000  }
0x22: {  	[sflag:s17] =	ssyncset.done $0x0  }
0x23: {  	s19 =	simm.s32 $0x6;
	s18 =	sadd.s32 $0x1E00, s31;
	[sflag:s17] =	ssyncadd.s32 $0xFFFFC000  }
0x24: {  	[hbm4b:s18+s3] =	stream.linear.scatter [tilespmem:s9], [sflag:$0x7], $0x4000, $0x38;
	[tilespmem:$0x10400] =	vst v63  }
0x25: {  	_ =	swait.ge [sflag:s19], $0x4000  }
0x26: {  	[sflag:s19] =	ssyncset.done $0x0  }
0x27: {  	s20 =	simm.s32 $0x280;
	s21 =	simm.s32 $0x4;
	[sflag:s19] =	ssyncadd.s32 $0xFFFFC000  }
0x28: {  	[tilespmem:s7], [sflag:$0x2] =	stream.indirect.gather [hbm4b:s2+s5], $0x80, s20, s5, $0xb8;
	[tilespmem:$0x10400] =	vst v63  }
0x29: {  	_ =	swait.ge [sflag:s21], $0x4000  }
0x2a: {  	[sflag:s21] =	ssyncset.done $0x0  }
0x2b: {  	s23 =	simm.s32 $0x7;
	s22 =	sadd.s32 $0x2600, s31;
	[sflag:s21] =	ssyncadd.s32 $0xFFFFC000  }
0x2c: {  	[hbm4b:s22+s3] =	stream.linear.scatter [tilespmem:s12], [sflag:$0x8], $0x4000, $0x38;
	[tilespmem:$0x10400] =	vst v63  }
0x2d: {  	_ =	swait.ge [sflag:s23], $0x4000  }
0x2e: {  	[sflag:s23] =	ssyncset.done $0x0  }
0x2f: {  	s24 =	simm.s32 $0x300;
	[sflag:s23] =	ssyncadd.s32 $0xFFFFC000  }
0x30: {  	[tilespmem:s9], [sflag:$0x3] =	stream.indirect.gather [hbm4b:s2+s5], $0x80, s24, s5, $0xb8;
	[tilespmem:$0x10400] =	vst v63  }
0x31: {  	_ =	swait.ge [sflag:s10], $0x4000  }
0x32: {  	[sflag:s10] =	ssyncset.done $0x0  }
0x33: {  	s26 =	sadd.s32 $0x2E00, s31;
	s25 =	simm.s32 $0x8;
	[sflag:s10] =	ssyncadd.s32 $0xFFFFC000  }
0x34: {  	[hbm4b:s26+s3] =	stream.linear.scatter [tilespmem:s6], [sflag:$0x5], $0x4000, $0x38;
	[tilespmem:$0x10400] =	vst v63  }
0x35: {  	_ =	swait.ge [sflag:s25], $0x4000  }
0x36: {  	[sflag:s25] =	ssyncset.done $0x0  }
0x37: {  	s28 =	simm.s32 $0x380;
	[sflag:s25] =	ssyncadd.s32 $0xFFFFC000  }
0x38: {  	[tilespmem:s12], [sflag:$0x4] =	stream.indirect.gather [hbm4b:s2+s5], $0x80, s28, s5, $0xb8;
	[tilespmem:$0x10400] =	vst v63  }
0x39: {  	_ =	swait.ge [sflag:s13], $0x4000  }
0x3a: {  	[sflag:s13] =	ssyncset.done $0x0  }
0x3b: {  	s29 =	sadd.s32 $0x3600, s31;
	[sflag:s13] =	ssyncadd.s32 $0xFFFFC000  }
0x3c: {  	[hbm4b:s29+s3] =	stream.linear.scatter [tilespmem:s7], [sflag:$0x6], $0x4000, $0x38;
	[tilespmem:$0x10400] =	vst v63  }
0x3d: {  	_ =	swait.ge [sflag:s17], $0x4000  }
0x3e: {  	[sflag:s17] =	ssyncset.done $0x0  }
0x3f: {  	s30 =	sadd.s32 $0x3E00, s31;
	[sflag:s17] =	ssyncadd.s32 $0xFFFFC000  }
0x40: {  	[hbm4b:s30+s3] =	stream.linear.scatter [tilespmem:s9], [sflag:$0x7], $0x4000, $0x38;
	[tilespmem:$0x10400] =	vst v63  }
0x41: {  	_ =	swait.ge [sflag:s21], $0x4000  }
0x42: {  	[sflag:s21] =	ssyncset.done $0x0  }
0x43: {  	s31 =	sadd.s32 $0x4600, s31;
	[sflag:s21] =	ssyncadd.s32 $0xFFFFC000  }
0x44: {  	[hbm4b:s31+s3] =	stream.linear.scatter [tilespmem:s12], [sflag:$0x8], $0x4000, $0x38;
	[tilespmem:$0x10400] =	vst v63  }
0x45: {  	s1 =	ssub.s32 $0x2, s1;
	_ =	swait.ge [sflag:s15], $0x4000  }
0x46: {  	s0 =	sshrl.u32 s1, $0x1;
	[sflag:s15] =	ssyncset.done $0x0  }
0x47: {  	s0 =	ssub.s32 s1, s0;
	[sflag:s15] =	ssyncadd.s32 $0xFFFFC000  }
0x48: {  	s0 =	smax.u32 s0, $0x1;
	_ =	swait.ge [sflag:s19], $0x4000  }
0x49: {  	p0 =	sne.s32 s0, $0x1;
	[sflag:s19] =	ssyncset.done $0x0  }
.Ltmp0:
0x4a: {  	[sflag:s19] =	ssyncadd.s32 $0xFFFFC000;
	(pc) =	sbr.rel @!p0 .LBB2_2-.Ltmp0, $4  }
0x4b: {  	_ =	swait.ge [sflag:s23], $0x4000  }
0x4c: {  	[sflag:s23] =	ssyncset.done $0x0  }
0x4d: {  	[sflag:s23] =	ssyncadd.s32 $0xFFFFC000  }
0x4e: {  	s1 =	sadd.s32 $0xFFFFFFFF, s0;
	_ =	swait.ge [sflag:s25], $0x4000  }
.LBB2_1:
0x4f: {  	[sflag:s25] =	ssyncset.done $0x0  }
0x50: {  	s0 =	rddreg [dreg:$0x4];
	[sflag:s25] =	ssyncadd.s32 $0xFFFFC000  }
0x51: {  	[tilespmem:s3], [sflag:$0x9] =	stream.linear.gather [hbm4b:s0+s3], $0x400, $0x38;
	[tilespmem:$0x10400] =	vst v63  }
0x52: {  	_ =	swait.ge [sflag:s4], $0x400  }
0x53: {  	[sflag:s4] =	ssyncset.done $0x0  }
0x54: {  	[sflag:s4] =	ssyncadd.s32 $0xFFFFFC00  }
0x55: {  	[tilespmem:s6], [sflag:$0x1] =	stream.indirect.gather [hbm4b:s2+s5], $0x80, s3, s5, $0xb8;
	[tilespmem:$0x10400] =	vst v63  }
0x56: {  	_ = 	snop  }
0x57: {  	[tilespmem:s7], [sflag:$0x2] =	stream.indirect.gather [hbm4b:s2+s5], $0x80, s5, s5, $0xb8;
	[tilespmem:$0x10400] =	vst v63  }
0x58: {  	_ = 	snop  }
0x59: {  	[tilespmem:s9], [sflag:$0x3] =	stream.indirect.gather [hbm4b:s2+s5], $0x80, s8, s5, $0xb8;
	[tilespmem:$0x10400] =	vst v63  }
0x5a: {  	_ =	swait.ge [sflag:s10], $0x4000  }
0x5b: {  	[sflag:s10] =	ssyncset.done $0x0  }
0x5c: {  	s0 =	rddreg [dreg:$0x5];
	[sflag:s10] =	ssyncadd.s32 $0xFFFFC000  }
0x5d: {  	[hbm4b:s0+s3] =	stream.linear.scatter [tilespmem:s6], [sflag:$0x5], $0x4000, $0x38;
	[tilespmem:$0x10400] =	vst v63  }
0x5e: {  	_ = 	snop  }
0x5f: {  	[tilespmem:s12], [sflag:$0x4] =	stream.indirect.gather [hbm4b:s2+s5], $0x80, s11, s5, $0xb8;
	[tilespmem:$0x10400] =	vst v63  }
0x60: {  	_ =	swait.ge [sflag:s13], $0x4000  }
0x61: {  	[sflag:s13] =	ssyncset.done $0x0  }
0x62: {  	[sflag:s13] =	ssyncadd.s32 $0xFFFFC000  }
0x63: {  	[hbm4b:s14+s3] =	stream.linear.scatter [tilespmem:s7], [sflag:$0x6], $0x4000, $0x38;
	[tilespmem:$0x10400] =	vst v63  }
0x64: {  	_ =	swait.ge [sflag:s15], $0x4000  }
0x65: {  	[sflag:s15] =	ssyncset.done $0x0  }
0x66: {  	[sflag:s15] =	ssyncadd.s32 $0xFFFFC000  }
0x67: {  	[tilespmem:s6], [sflag:$0x1] =	stream.indirect.gather [hbm4b:s2+s5], $0x80, s16, s5, $0xb8;
	[tilespmem:$0x10400] =	vst v63  }
0x68: {  	_ =	swait.ge [sflag:s17], $0x4000  }
0x69: {  	[sflag:s17] =	ssyncset.done $0x0  }
0x6a: {  	[sflag:s17] =	ssyncadd.s32 $0xFFFFC000  }
0x6b: {  	[hbm4b:s18+s3] =	stream.linear.scatter [tilespmem:s9], [sflag:$0x7], $0x4000, $0x38;
	[tilespmem:$0x10400] =	vst v63  }
0x6c: {  	_ =	swait.ge [sflag:s19], $0x4000  }
0x6d: {  	[sflag:s19] =	ssyncset.done $0x0  }
0x6e: {  	[sflag:s19] =	ssyncadd.s32 $0xFFFFC000  }
0x6f: {  	[tilespmem:s7], [sflag:$0x2] =	stream.indirect.gather [hbm4b:s2+s5], $0x80, s20, s5, $0xb8;
	[tilespmem:$0x10400] =	vst v63  }
0x70: {  	_ =	swait.ge [sflag:s21], $0x4000  }
0x71: {  	[sflag:s21] =	ssyncset.done $0x0  }
0x72: {  	[sflag:s21] =	ssyncadd.s32 $0xFFFFC000  }
0x73: {  	[hbm4b:s22+s3] =	stream.linear.scatter [tilespmem:s12], [sflag:$0x8], $0x4000, $0x38;
	[tilespmem:$0x10400] =	vst v63  }
0x74: {  	_ =	swait.ge [sflag:s23], $0x4000  }
0x75: {  	[sflag:s23] =	ssyncset.done $0x0  }
0x76: {  	[sflag:s23] =	ssyncadd.s32 $0xFFFFC000  }
0x77: {  	[tilespmem:s9], [sflag:$0x3] =	stream.indirect.gather [hbm4b:s2+s5], $0x80, s24, s5, $0xb8;
	[tilespmem:$0x10400] =	vst v63  }
0x78: {  	_ =	swait.ge [sflag:s10], $0x4000  }
0x79: {  	[sflag:s10] =	ssyncset.done $0x0  }
0x7a: {  	[sflag:s10] =	ssyncadd.s32 $0xFFFFC000  }
0x7b: {  	[hbm4b:s26+s3] =	stream.linear.scatter [tilespmem:s6], [sflag:$0x5], $0x4000, $0x38;
	[tilespmem:$0x10400] =	vst v63  }
0x7c: {  	_ =	swait.ge [sflag:s25], $0x4000  }
0x7d: {  	[sflag:s25] =	ssyncset.done $0x0  }
0x7e: {  	[sflag:s25] =	ssyncadd.s32 $0xFFFFC000  }
0x7f: {  	[tilespmem:s12], [sflag:$0x4] =	stream.indirect.gather [hbm4b:s2+s5], $0x80, s28, s5, $0xb8;
	[tilespmem:$0x10400] =	vst v63  }
0x80: {  	_ =	swait.ge [sflag:s13], $0x4000  }
0x81: {  	[sflag:s13] =	ssyncset.done $0x0  }
0x82: {  	[sflag:s13] =	ssyncadd.s32 $0xFFFFC000  }
0x83: {  	[hbm4b:s29+s3] =	stream.linear.scatter [tilespmem:s7], [sflag:$0x6], $0x4000, $0x38;
	[tilespmem:$0x10400] =	vst v63  }
0x84: {  	_ =	swait.ge [sflag:s17], $0x4000  }
0x85: {  	[sflag:s17] =	ssyncset.done $0x0  }
0x86: {  	[sflag:s17] =	ssyncadd.s32 $0xFFFFC000  }
0x87: {  	[hbm4b:s30+s3] =	stream.linear.scatter [tilespmem:s9], [sflag:$0x7], $0x4000, $0x38;
	[tilespmem:$0x10400] =	vst v63  }
0x88: {  	_ =	swait.ge [sflag:s21], $0x4000  }
0x89: {  	[sflag:s21] =	ssyncset.done $0x0  }
0x8a: {  	[sflag:s21] =	ssyncadd.s32 $0xFFFFC000  }
0x8b: {  	[hbm4b:s31+s3] =	stream.linear.scatter [tilespmem:s12], [sflag:$0x8], $0x4000, $0x38;
	[tilespmem:$0x10400] =	vst v63  }
0x8c: {  	_ =	swait.ge [sflag:s15], $0x4000  }
0x8d: {  	[sflag:s15] =	ssyncset.done $0x0  }
0x8e: {  	[sflag:s15] =	ssyncadd.s32 $0xFFFFC000  }
0x8f: {  	_ =	swait.ge [sflag:s19], $0x4000  }
0x90: {  	p0 =	sne.s32 s1, $0x1;
	[sflag:s19] =	ssyncset.done $0x0  }
.Ltmp1:
0x91: {  	[sflag:s19] =	ssyncadd.s32 $0xFFFFC000;
	(pc) =	sbr.rel @p0 .LBB2_1-.Ltmp1, $4  }
0x92: {  	_ =	swait.ge [sflag:s23], $0x4000  }
0x93: {  	[sflag:s23] =	ssyncset.done $0x0  }
0x94: {  	[sflag:s23] =	ssyncadd.s32 $0xFFFFC000  }
0x95: {  	s1 =	sadd.s32 $0xFFFFFFFF, s1;
	_ =	swait.ge [sflag:s25], $0x4000  }
.LBB2_2:
0x96: {  	[sflag:s25] =	ssyncset.done $0x0  }
0x97: {  	[sflag:s25] =	ssyncadd.s32 $0xFFFFC000  }
0x98: {  	_ =	sfence.sel $0x180000  }
0x99: {  	[bflag:$0x0] =	sbarrier.arrive $0xFFFF  }
0x9a: {  	_ =	strace $0x90000047  }
0x9b: {  	s0 =	stileid.u32;
	[bflag:$0x2] =	sbarrier.arrive $0xFFFF  }
0x9c: {  	p0 =	sne.s32 s0, $0x0;
	s0 =	rddreg [dreg:$0x3]  }
0x9d: {  	s0 =	sadd.s32 @!p0 $0x100000, s0  }
0x9e: {  	[sflag:s0] =	ssyncadd.tile.s32 @!p0 $0x1;
	_ =	shalt  }
.Lfunc_end2:
_tile_overlayer_lowered:
.L_overlay_start_2:
0x9f: {  	(tag) =	ssettag $0x2  }
0xa0: {  	s0 =	rddreg [dreg:$0x0];
	s2 =	stileid.u32  }
0xa1: {  	s1 =	rddreg [dreg:$0x1];
	p0 =	sne.s32 s2, $0x0  }
0xa2: {  	s3 =	rddreg [dreg:$0x2];
	[bflag:$0x3] =	sbarrier.arrive $0xFFFF;
	s2 =	simm.s32 @!p0 $0x1C09  }
0xa3: {  	[timem:s3], [sflag:s2] =	dma.local @!p0 [hbm:s0], s1  }
0xa4: {  	s0 =	simm.s32 @!p0 $0x9  }
0xa5: {  	_ =	swait.ge @!p0 [sflag:s0], s1  }
0xa6: {  	s1 =	ssub.s32 @!p0 $0x0, s1;
	[sflag:s0] =	ssyncset.done @!p0 $0x0  }
0xa7: {  	[sflag:s0] =	ssyncadd.s32 @!p0 s1  }
0xa8: {  	[bflag:$0x3] =	sbarrier.arrive $0xFFFF  }
0xa9: {  	_ =	shalt  }

</sc_bundles>
